<compile_context>
chip_gen: v7x
topology: tpu7x:2x2x1
jax: 0.10.2.dev20260603
libtpu: 0.0.44.dev20260713+nightly
codegen_flags: <defaults>
</compile_context>

<pallas_src>
import functools
import math

import jax
import jax.numpy as jnp
from jax import lax
from jax.experimental import pallas as pl
from jax.experimental.pallas import tpu as pltpu
from jax.experimental.pallas import tpu_sc as plsc

B, F, NT = 4, 2048, 8192
ND = 128
DV = 192
NC = 16384
TOK_TILE = 512
CB_CHUNK = 2048
N_TILES = NT // TOK_TILE
N_CHUNKS = NC // CB_CHUNK


def _enc_body(fv_ref, ang_ref, ar_ref, nor_ref, mask_ref, pe_ref,
              vtab_ref, atab_ref, artab_ref, ntab_ref,
              wf_ref, bf_ref, we_ref, be_ref, out_ref):
    def disc(x, mn, mx):
        y = (x - mn) / (mx - mn)
        y = y * (ND - 1)
        return jnp.round(y).astype(jnp.int32)

    iota = lax.broadcasted_iota(jnp.int32, (TOK_TILE, ND), 1)

    def onehot_mm(col_idx, tab):
        oh = (col_idx == iota).astype(jnp.float32)
        return lax.dot_general(oh, tab, (((1,), (0,)), ((), ())),
                               precision=lax.Precision.HIGHEST,
                               preferred_element_type=jnp.float32)

    pe = pe_ref[...]
    vtab = vtab_ref[...]
    ntab = ntab_ref[...]
    atab = atab_ref[...]
    artab = artab_ref[...]

    vd = disc(fv_ref[...], -1.0, 1.0)
    nrd = disc(nor_ref[...], -1.0, 1.0)
    ad = disc(ang_ref[...], 0.0, math.pi)
    ard = disc(ar_ref[...], 0.0, 4.0)

    pieces = []
    for s in range(9):
        pieces.append(onehot_mm(vd[:, s:s + 1], vtab) + pe)
    for s in range(3):
        pieces.append(onehot_mm(nrd[:, s:s + 1], ntab))
    for s in range(3):
        pieces.append(onehot_mm(ad[:, s:s + 1], atab))
    pieces.append(onehot_mm(ard[:, 0:1], artab))
    graph = jnp.concatenate(pieces, axis=1)

    graph = graph.astype(jnp.bfloat16).astype(jnp.float32)
    g = lax.dot_general(graph, wf_ref[...], (((1,), (1,)), ((), ())),
                        preferred_element_type=jnp.float32) + bf_ref[...][None, :]
    g = jnp.where(mask_ref[...] != 0.0, g, 0.0)
    g = g.astype(jnp.bfloat16).astype(jnp.float32)
    enc = lax.dot_general(g, we_ref[...], (((1,), (1,)), ((), ())),
                          preferred_element_type=jnp.float32) + be_ref[...][None, :]
    out_ref[...] = enc


def _enc_pallas(fv, ang, ar, nor, maskf, pe2048, vtab, atab, artab, ntab,
                wf, bf, we, be):
    full = lambda shape: pl.BlockSpec(shape, lambda i: tuple(0 for _ in shape))
    return pl.pallas_call(
        _enc_body,
        grid=(N_TILES,),
        in_specs=[
            pl.BlockSpec((TOK_TILE, 9), lambda i: (i, 0)),
            pl.BlockSpec((TOK_TILE, 3), lambda i: (i, 0)),
            pl.BlockSpec((TOK_TILE, 1), lambda i: (i, 0)),
            pl.BlockSpec((TOK_TILE, 3), lambda i: (i, 0)),
            pl.BlockSpec((TOK_TILE, 1), lambda i: (i, 0)),
            pl.BlockSpec((TOK_TILE, 64), lambda i: (i % (F // TOK_TILE), 0)),
            full((ND, 64)),
            full((ND, 16)),
            full((ND, 16)),
            full((ND, 64)),
            full((196, 832)),
            full((196,)),
            full((DV, 196)),
            full((DV,)),
        ],
        out_specs=pl.BlockSpec((TOK_TILE, DV), lambda i: (i, 0)),
        out_shape=jax.ShapeDtypeStruct((NT, DV), jnp.float32),
    )(fv, ang, ar, nor, maskf, pe2048, vtab, atab, artab, ntab, wf, bf, we, be)


XLA_CHUNKS = ((0, 5504), (5504, 5504), (11008, 5376))


def _make_score_body(bf16_carry):
    def _score_body(r_ref, rsq_ref, cb_ref, cbsq_ref, idx_ref):
        r = r_ref[...]
        rsq = rsq_ref[...][:, None]
        acc_v = None
        acc_i = None
        for start, size in XLA_CHUNKS:
            cbc = cb_ref[pl.ds(start, size), :]
            s = lax.dot_general(r, cbc, (((1,), (1,)), ((), ())),
                                preferred_element_type=jnp.float32)
            d = (rsq - 2.0 * s) + cbsq_ref[pl.ds(start, size)][None, :]
            m = jnp.min(d, axis=1)
            iota = lax.broadcasted_iota(jnp.int32, (TOK_TILE, size), 1)
            i_in = jnp.min(jnp.where(d == m[:, None], iota, NC), axis=1)
            gi = i_in + start
            if acc_v is None:
                acc_v, acc_i = m, gi
            else:
                take = m < acc_v
                acc_v = jnp.where(take, m, acc_v)
                acc_i = jnp.where(take, gi, acc_i)
            if bf16_carry:
                acc_v = acc_v.astype(jnp.bfloat16).astype(jnp.float32)
        idx_ref[...] = acc_i
    return _score_body


def _score_pallas(r, rsq, codebook, cb_sq, bf16_carry):
    return pl.pallas_call(
        _make_score_body(bf16_carry),
        grid=(N_TILES,),
        in_specs=[
            pl.BlockSpec((TOK_TILE, DV), lambda i: (i, 0)),
            pl.BlockSpec((TOK_TILE,), lambda i: (i,)),
            pl.BlockSpec((NC, DV), lambda i: (0, 0)),
            pl.BlockSpec((NC,), lambda i: (0,)),
        ],
        out_specs=pl.BlockSpec((TOK_TILE,), lambda i: (i,)),
        out_shape=jax.ShapeDtypeStruct((NT,), jnp.int32),
    )(r, rsq, codebook, cb_sq)


DVP = 256


def _sc_gather(idx, codebook_pad):
    info = plsc.get_sparse_core_info()
    nw = info.num_cores * info.num_subcores
    per_w = NT // nw
    k = 128
    nk = per_w // k
    mesh = plsc.VectorSubcoreMesh(core_axis_name="c", subcore_axis_name="s")

    @functools.partial(
        pl.kernel, mesh=mesh,
        out_type=jax.ShapeDtypeStruct((NT, DVP), jnp.float32),
        scratch_types=[
            pltpu.VMEM((nk, k), jnp.int32),
            pltpu.VMEM((k, DVP), jnp.float32),
            pltpu.SemaphoreType.DMA,
        ],
    )
    def gather_k(idx_hbm, table_hbm, out_hbm, idx_v, rows_v, sem):
        wid = lax.axis_index("s") * info.num_cores + lax.axis_index("c")
        base = wid * per_w
        pltpu.sync_copy(idx_hbm.at[wid], idx_v)
        for j in range(nk):
            pltpu.async_copy(table_hbm.at[idx_v.at[j]], rows_v, sem).wait()
            pltpu.sync_copy(rows_v, out_hbm.at[pl.ds(base + j * k, k)])

    return gather_k(idx.reshape(nw, nk, k), codebook_pad)


def _combine_body(enc_ref, q1_ref, q2_ref, out_ref, loss_ref):
    enc = enc_ref[...]
    q = q1_ref[...] + q2_ref[...]
    out_ref[...] = enc + (q - enc)
    e = enc - q
    part = jnp.sum(e * e)
    prev = jnp.where(pl.program_id(0) == 0, 0.0, loss_ref[...])
    tot = prev + part
    last = pl.program_id(0) == pl.num_programs(0) - 1
    loss_ref[...] = jnp.where(last, tot / (NT * DV), tot)


def _combine_pallas(enc, q1, q2):
    return pl.pallas_call(
        _combine_body,
        grid=(N_TILES,),
        in_specs=[pl.BlockSpec((TOK_TILE, DV), lambda i: (i, 0))] * 3,
        out_specs=[
            pl.BlockSpec((TOK_TILE, DV), lambda i: (i, 0)),
            pl.BlockSpec((1, 1), lambda i: (0, 0)),
        ],
        out_shape=[
            jax.ShapeDtypeStruct((NT, DV), jnp.float32),
            jax.ShapeDtypeStruct((1, 1), jnp.float32),
        ],
    )(enc, q1, q2)


def kernel(faces, vertices, face_vertices, angles, face_areas, normals,
           face_mask, vertex_table, angle_table, area_table, normal_table,
           pe, W_face, b_face, W_enc, b_enc, codebook):
    fv = face_vertices.reshape(NT, 9)
    ang = angles.reshape(NT, 3)
    ar = face_areas.reshape(NT, 1)
    nor = normals.reshape(NT, 3)
    maskf = face_mask.reshape(NT, 1).astype(jnp.float32)
    pe2048 = pe[:F]

    enc = _enc_pallas(fv, ang, ar, nor, maskf, pe2048,
                      vertex_table, angle_table, area_table, normal_table,
                      W_face, b_face, W_enc, b_enc)

    cb_sq = jnp.sum(codebook ** 2, axis=-1)
    cb_pad = jnp.pad(codebook, ((0, 0), (0, DVP - DV)))
    rsq1 = jnp.sum(enc.reshape(B, F, DV) ** 2, axis=-1, keepdims=True).reshape(NT)
    idx1 = _score_pallas(enc, rsq1, codebook, cb_sq, True)
    q1 = _sc_gather(idx1, cb_pad)[:, :DV]

    res2 = enc - q1
    rsq2 = jnp.sum(res2.reshape(B, F, DV) ** 2, axis=-1, keepdims=True).reshape(NT)
    idx2 = _score_pallas(res2, rsq2, codebook, cb_sq, False)
    q2 = _sc_gather(idx2, cb_pad)[:, :DV]

    qste, loss = _combine_pallas(enc, q1, q2)

    codes = jnp.stack([idx1.reshape(B, F), idx2.reshape(B, F)], axis=-1)
    return qste.reshape(B, F, DV), codes, loss[0, 0]

# --- scband reference (transcript-rebuilt; emitter-appended) ---
"""Pipeline reference for scband-auto-encoder-20358144983340 (READ-ONLY COPY).

The authoritative reference and input builder live on the scoring server;
editing this copy changes nothing except your own understanding.
"""

import jax, jax.numpy as jnp
import numpy as np


def _discretize(x, mn, mx, n):
    x = (x - mn) / (mx - mn)
    x = x * (n - 1)
    return jnp.round(x).astype(jnp.int32)


def _make_pe(max_len, d_model):
    position = np.arange(max_len)[:, None].astype(np.float64)
    div_term = np.exp(np.arange(0, d_model, 2).astype(np.float64) * (-np.log(10000.0) / d_model))
    pe = np.zeros((max_len, d_model), dtype=np.float32)
    pe[:, 0::2] = np.sin(position * div_term)
    pe[:, 1::2] = np.cos(position * div_term)
    return jnp.asarray(pe)


def setup_inputs(seed: int = 0):
    key = jax.random.key(seed)
    ks = jax.random.split(key, 16)
    B, F, V = 4, 2048, 6144
    nd = 128
    inp = {}
    inp['faces'] = jax.random.randint(ks[0], (B, F, 3), 0, V, dtype=jnp.int32)
    inp['vertices'] = jax.random.uniform(ks[1], (B, V, 3), dtype=jnp.float32)
    inp['face_vertices'] = jax.random.uniform(ks[2], (B, F, 9), dtype=jnp.float32)
    inp['angles'] = jax.random.uniform(ks[3], (B, F, 3), dtype=jnp.float32)
    inp['face_areas'] = jax.random.uniform(ks[4], (B, F), dtype=jnp.float32)
    inp['normals'] = jax.random.uniform(ks[5], (B, F, 3), dtype=jnp.float32)
    inp['face_mask'] = jnp.ones((B, F), dtype=bool)
    inp['vertex_table'] = jax.random.normal(ks[6], (nd, 64), dtype=jnp.float32) * 0.02
    inp['angle_table'] = jax.random.normal(ks[7], (nd, 16), dtype=jnp.float32) * 0.02
    inp['area_table'] = jax.random.normal(ks[8], (nd, 16), dtype=jnp.float32) * 0.02
    inp['normal_table'] = jax.random.normal(ks[9], (nd, 64), dtype=jnp.float32) * 0.02
    inp['pe'] = _make_pe(20000, 64)
    inp['W_face'] = jax.random.normal(ks[10], (196, 832), dtype=jnp.float32) * 0.02
    inp['b_face'] = jnp.zeros((196,), dtype=jnp.float32)
    inp['W_enc'] = jax.random.normal(ks[11], (192, 196), dtype=jnp.float32) * 0.02
    inp['b_enc'] = jnp.zeros((192,), dtype=jnp.float32)
    inp['codebook'] = jax.random.normal(ks[12], (16384, 192), dtype=jnp.float32)
    return inp


def reference(faces, vertices, face_vertices, angles, face_areas, normals, face_mask,
              vertex_table, angle_table, area_table, normal_table, pe,
              W_face, b_face, W_enc, b_enc, codebook):
    B, F = faces.shape[0], faces.shape[1]
    nd = 128
    vd = _discretize(face_vertices, -1.0, 1.0, nd)      # [B,F,9]
    ad = _discretize(angles, 0.0, float(np.pi), nd)      # [B,F,3]
    ard = _discretize(face_areas, 0.0, 4.0, nd)          # [B,F]
    nrd = _discretize(normals, -1.0, 1.0, nd)            # [B,F,3]
    ve = vertex_table[vd]     # [B,F,9,64]
    ae = angle_table[ad]      # [B,F,3,16]
    are = area_table[ard]     # [B,F,16]
    ne = normal_table[nrd]    # [B,F,3,64]
    # PositionalEncoding: pe[:F] broadcast over the 9 vertex-coord slots and batch
    pos = pe[:F][:, None, :]  # [F,1,64]
    ve = ve + pos[None, :, :, :]
    graph = jnp.concatenate([ve.reshape(B, F, -1), ne.reshape(B, F, -1), ae.reshape(B, F, -1), are], axis=-1)  # [B,F,832]
    graph = graph @ W_face.T + b_face   # [B,F,196]
    graph = jnp.where(face_mask[..., None], graph, 0.0)
    enc = graph @ W_enc.T + b_enc       # [B,F,192] (stand-in encoder projection to VQ dim)
    # Residual VQ: 2 quantizers, shared codebook, deterministic nearest-code
    residual = enc
    quantized = jnp.zeros_like(enc)
    codes = []
    cb_sq = jnp.sum(codebook ** 2, axis=-1)
    for _ in range(2):
        d = jnp.sum(residual ** 2, axis=-1, keepdims=True) - 2.0 * (residual @ codebook.T) + cb_sq
        idx = jnp.argmin(d, axis=-1)
        q = codebook[idx]
        quantized = quantized + q
        residual = residual - q
        codes.append(idx)
    commit_loss = jnp.mean((enc - jax.lax.stop_gradient(quantized)) ** 2)
    quantized_ste = enc + jax.lax.stop_gradient(quantized - enc)
    return quantized_ste, jnp.stack(codes, axis=-1), commit_loss

if __name__ == "__main__":
    import jax
    _d = setup_inputs()
    print(jax.jit(kernel)(*tuple(_d.values())))

</pallas_src>

<mosaic_0001>
#map = affine_map<(d0, d1) -> (0, 0, 0)>
#map1 = affine_map<(d0, d1) -> (0, 0)>
module attributes {stable_mosaic.version = 14 : i64} {
  func.func @gather_k(%arg0: i32, %arg1: i32, %arg2: memref<32x2x128xi32, #tpu.memory_space<hbm>>, %arg3: memref<16384x256xf32, #tpu.memory_space<hbm>>, %arg4: memref<8192x256xf32, #tpu.memory_space<hbm>>, %arg5: memref<2x128xi32, #tpu.memory_space<vmem>>, %arg6: memref<128x256xf32, #tpu.memory_space<vmem>>, %arg7: memref<!tpu.dma_semaphore, #tpu.memory_space<semaphore_mem>>) attributes {dimension_semantics = [#tpu.dimension_semantics<core_parallel>, #tpu.dimension_semantics<subcore_parallel>], iteration_bounds = array<i64: 2, 16>, scalar_prefetch = 0 : i64, scratch_operands = 3 : i64, tpu.core_type = #tpu.core_type<sc_vector_subcore>, window_params = [{transform_indices = #map}, {transform_indices = #map1}, {transform_indices = #map1}]} {
    %mul3A = arith.constant 2 : i32
    %mul3A_0 = arith.muli %arg1, %mul3A : i32
    %add3A = arith.addi %mul3A_0, %arg0 : i32
    %mul3A_1 = arith.constant 256 : i32
    %mul3A_2 = arith.muli %add3A, %mul3A_1 : i32
    "tpu.region"() ({
      %run_scoped3A = tpu.sem_alloc : memref<!tpu.dma_semaphore, #tpu.memory_space<semaphore_mem>>
      %dma_start3A_33 = arith.constant 0 : i32
      %dma_start3A_34 = arith.constant 0 : i32
      %dma_start3A_35 = tpu.memref_slice %arg2[%add3A, %dma_start3A_33, %dma_start3A_34] : memref<32x2x128xi32, #tpu.memory_space<hbm>> -> memref<1x2x128xi32, #tpu.memory_space<hbm>>
      %dma_start3A_36 = tpu.memref_squeeze %dma_start3A_35 : memref<1x2x128xi32, #tpu.memory_space<hbm>> -> memref<2x128xi32, #tpu.memory_space<hbm>>
      %dma_start3A_37 = arith.constant 0 : i32
      %dma_start3A_38 = arith.constant 0 : i32
      %dma_start3A_39 = tpu.memref_slice %arg2[%add3A, %dma_start3A_37, %dma_start3A_38] : memref<32x2x128xi32, #tpu.memory_space<hbm>> -> memref<1x2x128xi32, #tpu.memory_space<hbm>>
      %dma_start3A_40 = tpu.memref_squeeze %dma_start3A_39 : memref<1x2x128xi32, #tpu.memory_space<hbm>> -> memref<2x128xi32, #tpu.memory_space<hbm>>
      tpu.enqueue_dma source(%dma_start3A_40 : memref<2x128xi32, #tpu.memory_space<hbm>>) target(%arg5 : memref<2x128xi32, #tpu.memory_space<vmem>>) target_semaphore(%run_scoped3A : memref<!tpu.dma_semaphore, #tpu.memory_space<semaphore_mem>>)
      %dma_wait3A_41 = arith.constant 0 : i32
      %dma_wait3A_42 = arith.constant 0 : i32
      %dma_wait3A_43 = tpu.memref_slice %arg2[%add3A, %dma_wait3A_41, %dma_wait3A_42] : memref<32x2x128xi32, #tpu.memory_space<hbm>> -> memref<1x2x128xi32, #tpu.memory_space<hbm>>
      %dma_wait3A_44 = tpu.memref_squeeze %dma_wait3A_43 : memref<1x2x128xi32, #tpu.memory_space<hbm>> -> memref<2x128xi32, #tpu.memory_space<hbm>>
      %dma_wait3A_45 = arith.constant 0 : i32
      %dma_wait3A_46 = arith.constant 0 : i32
      %dma_wait3A_47 = tpu.memref_slice %arg2[%add3A, %dma_wait3A_45, %dma_wait3A_46] : memref<32x2x128xi32, #tpu.memory_space<hbm>> -> memref<1x2x128xi32, #tpu.memory_space<hbm>>
      %dma_wait3A_48 = tpu.memref_squeeze %dma_wait3A_47 : memref<1x2x128xi32, #tpu.memory_space<hbm>> -> memref<2x128xi32, #tpu.memory_space<hbm>>
      tpu.wait_dma2 semaphore(%run_scoped3A : memref<!tpu.dma_semaphore, #tpu.memory_space<semaphore_mem>>) src(%dma_wait3A_48 : memref<2x128xi32, #tpu.memory_space<hbm>>) dst(%arg5 : memref<2x128xi32, #tpu.memory_space<vmem>>)
      tpu.yield
    }) : () -> ()
    %dma_start3A = arith.constant 0 : i32
    %dma_start3A_3 = arith.constant 0 : i32
    %dma_start3A_4 = tpu.memref_slice %arg5[%dma_start3A, %dma_start3A_3] : memref<2x128xi32, #tpu.memory_space<vmem>> -> memref<1x128xi32, #tpu.memory_space<vmem>>
    %dma_start3A_5 = tpu.memref_squeeze %dma_start3A_4 : memref<1x128xi32, #tpu.memory_space<vmem>> -> memref<128xi32, #tpu.memory_space<vmem>>
    %dma_start3A_6 = arith.constant 0 : i32
    %dma_start3A_7 = arith.constant 0 : i32
    %dma_start3A_8 = tpu.memref_slice %arg3[%dma_start3A_6, %dma_start3A_7] : memref<16384x256xf32, #tpu.memory_space<hbm>> -> memref<16384x256xf32, #tpu.memory_space<hbm>>
    tpu.enqueue_indirect_dma source(%dma_start3A_8 : memref<16384x256xf32, #tpu.memory_space<hbm>>) target(%arg6 : memref<128x256xf32, #tpu.memory_space<vmem>>) offsets(%dma_start3A_5 : memref<128xi32, #tpu.memory_space<vmem>>) semaphore(%arg7 : memref<!tpu.dma_semaphore, #tpu.memory_space<semaphore_mem>>)
    %dma_wait3A = arith.constant 0 : i32
    %dma_wait3A_9 = arith.constant 0 : i32
    %dma_wait3A_10 = tpu.memref_slice %arg5[%dma_wait3A, %dma_wait3A_9] : memref<2x128xi32, #tpu.memory_space<vmem>> -> memref<1x128xi32, #tpu.memory_space<vmem>>
    %dma_wait3A_11 = tpu.memref_squeeze %dma_wait3A_10 : memref<1x128xi32, #tpu.memory_space<vmem>> -> memref<128xi32, #tpu.memory_space<vmem>>
    %dma_wait3A_12 = arith.constant 0 : i32
    %dma_wait3A_13 = arith.constant 0 : i32
    %dma_wait3A_14 = tpu.memref_slice %arg3[%dma_wait3A_12, %dma_wait3A_13] : memref<16384x256xf32, #tpu.memory_space<hbm>> -> memref<16384x256xf32, #tpu.memory_space<hbm>>
    tpu.wait_indirect_dma semaphore(%arg7 : memref<!tpu.dma_semaphore, #tpu.memory_space<semaphore_mem>>) src(%dma_wait3A_14 : memref<16384x256xf32, #tpu.memory_space<hbm>>) dst(%arg6 : memref<128x256xf32, #tpu.memory_space<vmem>>)
    %add3A_15 = arith.constant 0 : i32
    %add3A_16 = arith.addi %mul3A_2, %add3A_15 : i32
    "tpu.region"() ({
      %run_scoped3A = tpu.sem_alloc : memref<!tpu.dma_semaphore, #tpu.memory_space<semaphore_mem>>
      %dma_start3A_33 = arith.constant 0 : i32
      %dma_start3A_34 = tpu.memref_slice %arg4[%add3A_16, %dma_start3A_33] : memref<8192x256xf32, #tpu.memory_space<hbm>> -> memref<128x256xf32, #tpu.memory_space<hbm>>
      %dma_start3A_35 = arith.constant 0 : i32
      %dma_start3A_36 = tpu.memref_slice %arg4[%add3A_16, %dma_start3A_35] : memref<8192x256xf32, #tpu.memory_space<hbm>> -> memref<128x256xf32, #tpu.memory_space<hbm>>
      tpu.enqueue_dma source(%arg6 : memref<128x256xf32, #tpu.memory_space<vmem>>) target(%dma_start3A_36 : memref<128x256xf32, #tpu.memory_space<hbm>>) target_semaphore(%run_scoped3A : memref<!tpu.dma_semaphore, #tpu.memory_space<semaphore_mem>>)
      %dma_wait3A_37 = arith.constant 0 : i32
      %dma_wait3A_38 = tpu.memref_slice %arg4[%add3A_16, %dma_wait3A_37] : memref<8192x256xf32, #tpu.memory_space<hbm>> -> memref<128x256xf32, #tpu.memory_space<hbm>>
      %dma_wait3A_39 = arith.constant 0 : i32
      %dma_wait3A_40 = tpu.memref_slice %arg4[%add3A_16, %dma_wait3A_39] : memref<8192x256xf32, #tpu.memory_space<hbm>> -> memref<128x256xf32, #tpu.memory_space<hbm>>
      tpu.wait_dma2 semaphore(%run_scoped3A : memref<!tpu.dma_semaphore, #tpu.memory_space<semaphore_mem>>) src(%arg6 : memref<128x256xf32, #tpu.memory_space<vmem>>) dst(%dma_wait3A_40 : memref<128x256xf32, #tpu.memory_space<hbm>>)
      tpu.yield
    }) : () -> ()
    %dma_start3A_17 = arith.constant 1 : i32
    %dma_start3A_18 = arith.constant 0 : i32
    %dma_start3A_19 = tpu.memref_slice %arg5[%dma_start3A_17, %dma_start3A_18] : memref<2x128xi32, #tpu.memory_space<vmem>> -> memref<1x128xi32, #tpu.memory_space<vmem>>
    %dma_start3A_20 = tpu.memref_squeeze %dma_start3A_19 : memref<1x128xi32, #tpu.memory_space<vmem>> -> memref<128xi32, #tpu.memory_space<vmem>>
    %dma_start3A_21 = arith.constant 0 : i32
    %dma_start3A_22 = arith.constant 0 : i32
    %dma_start3A_23 = tpu.memref_slice %arg3[%dma_start3A_21, %dma_start3A_22] : memref<16384x256xf32, #tpu.memory_space<hbm>> -> memref<16384x256xf32, #tpu.memory_space<hbm>>
    tpu.enqueue_indirect_dma source(%dma_start3A_23 : memref<16384x256xf32, #tpu.memory_space<hbm>>) target(%arg6 : memref<128x256xf32, #tpu.memory_space<vmem>>) offsets(%dma_start3A_20 : memref<128xi32, #tpu.memory_space<vmem>>) semaphore(%arg7 : memref<!tpu.dma_semaphore, #tpu.memory_space<semaphore_mem>>)
    %dma_wait3A_24 = arith.constant 1 : i32
    %dma_wait3A_25 = arith.constant 0 : i32
    %dma_wait3A_26 = tpu.memref_slice %arg5[%dma_wait3A_24, %dma_wait3A_25] : memref<2x128xi32, #tpu.memory_space<vmem>> -> memref<1x128xi32, #tpu.memory_space<vmem>>
    %dma_wait3A_27 = tpu.memref_squeeze %dma_wait3A_26 : memref<1x128xi32, #tpu.memory_space<vmem>> -> memref<128xi32, #tpu.memory_space<vmem>>
    %dma_wait3A_28 = arith.constant 0 : i32
    %dma_wait3A_29 = arith.constant 0 : i32
    %dma_wait3A_30 = tpu.memref_slice %arg3[%dma_wait3A_28, %dma_wait3A_29] : memref<16384x256xf32, #tpu.memory_space<hbm>> -> memref<16384x256xf32, #tpu.memory_space<hbm>>
    tpu.wait_indirect_dma semaphore(%arg7 : memref<!tpu.dma_semaphore, #tpu.memory_space<semaphore_mem>>) src(%dma_wait3A_30 : memref<16384x256xf32, #tpu.memory_space<hbm>>) dst(%arg6 : memref<128x256xf32, #tpu.memory_space<vmem>>)
    %add3A_31 = arith.constant 128 : i32
    %add3A_32 = arith.addi %mul3A_2, %add3A_31 : i32
    "tpu.region"() ({
      %run_scoped3A = tpu.sem_alloc : memref<!tpu.dma_semaphore, #tpu.memory_space<semaphore_mem>>
      %dma_start3A_33 = arith.constant 0 : i32
      %dma_start3A_34 = tpu.memref_slice %arg4[%add3A_32, %dma_start3A_33] : memref<8192x256xf32, #tpu.memory_space<hbm>> -> memref<128x256xf32, #tpu.memory_space<hbm>>
      %dma_start3A_35 = arith.constant 0 : i32
      %dma_start3A_36 = tpu.memref_slice %arg4[%add3A_32, %dma_start3A_35] : memref<8192x256xf32, #tpu.memory_space<hbm>> -> memref<128x256xf32, #tpu.memory_space<hbm>>
      tpu.enqueue_dma source(%arg6 : memref<128x256xf32, #tpu.memory_space<vmem>>) target(%dma_start3A_36 : memref<128x256xf32, #tpu.memory_space<hbm>>) target_semaphore(%run_scoped3A : memref<!tpu.dma_semaphore, #tpu.memory_space<semaphore_mem>>)
      %dma_wait3A_37 = arith.constant 0 : i32
      %dma_wait3A_38 = tpu.memref_slice %arg4[%add3A_32, %dma_wait3A_37] : memref<8192x256xf32, #tpu.memory_space<hbm>> -> memref<128x256xf32, #tpu.memory_space<hbm>>
      %dma_wait3A_39 = arith.constant 0 : i32
      %dma_wait3A_40 = tpu.memref_slice %arg4[%add3A_32, %dma_wait3A_39] : memref<8192x256xf32, #tpu.memory_space<hbm>> -> memref<128x256xf32, #tpu.memory_space<hbm>>
      tpu.wait_dma2 semaphore(%run_scoped3A : memref<!tpu.dma_semaphore, #tpu.memory_space<semaphore_mem>>) src(%arg6 : memref<128x256xf32, #tpu.memory_space<vmem>>) dst(%dma_wait3A_40 : memref<128x256xf32, #tpu.memory_space<hbm>>)
      tpu.yield
    }) : () -> ()
    return
  }
}

#map = affine_map<(d0, d1) -> (0, 0, 0)>
#map1 = affine_map<(d0, d1) -> (0, 0)>
module attributes {stable_mosaic.version = 14 : i64} {
  func.func @gather_k(%arg0: i32, %arg1: i32, %arg2: memref<32x2x128xi32, #tpu.memory_space<hbm>>, %arg3: memref<16384x256xf32, #tpu.memory_space<hbm>>, %arg4: memref<8192x256xf32, #tpu.memory_space<hbm>>, %arg5: memref<2x128xi32, #tpu.memory_space<vmem>>, %arg6: memref<128x256xf32, #tpu.memory_space<vmem>>, %arg7: memref<!tpu.dma_semaphore, #tpu.memory_space<semaphore_mem>>) attributes {dimension_semantics = [#tpu.dimension_semantics<core_parallel>, #tpu.dimension_semantics<subcore_parallel>], iteration_bounds = array<i64: 2, 16>, scalar_prefetch = 0 : i64, scratch_operands = 3 : i64, tpu.core_type = #tpu.core_type<sc_vector_subcore>, window_params = [{transform_indices = #map}, {transform_indices = #map1}, {transform_indices = #map1}]} {
    %mul3A = arith.constant 2 : i32
    %mul3A_0 = arith.muli %arg1, %mul3A : i32
    %add3A = arith.addi %mul3A_0, %arg0 : i32
    %mul3A_1 = arith.constant 256 : i32
    %mul3A_2 = arith.muli %add3A, %mul3A_1 : i32
    "tpu.region"() ({
      %run_scoped3A = tpu.sem_alloc : memref<!tpu.dma_semaphore, #tpu.memory_space<semaphore_mem>>
      %dma_start3A_33 = arith.constant 0 : i32
      %dma_start3A_34 = arith.constant 0 : i32
      %dma_start3A_35 = tpu.memref_slice %arg2[%add3A, %dma_start3A_33, %dma_start3A_34] : memref<32x2x128xi32, #tpu.memory_space<hbm>> -> memref<1x2x128xi32, #tpu.memory_space<hbm>>
      %dma_start3A_36 = tpu.memref_squeeze %dma_start3A_35 : memref<1x2x128xi32, #tpu.memory_space<hbm>> -> memref<2x128xi32, #tpu.memory_space<hbm>>
      %dma_start3A_37 = arith.constant 0 : i32
      %dma_start3A_38 = arith.constant 0 : i32
      %dma_start3A_39 = tpu.memref_slice %arg2[%add3A, %dma_start3A_37, %dma_start3A_38] : memref<32x2x128xi32, #tpu.memory_space<hbm>> -> memref<1x2x128xi32, #tpu.memory_space<hbm>>
      %dma_start3A_40 = tpu.memref_squeeze %dma_start3A_39 : memref<1x2x128xi32, #tpu.memory_space<hbm>> -> memref<2x128xi32, #tpu.memory_space<hbm>>
      tpu.enqueue_dma source(%dma_start3A_40 : memref<2x128xi32, #tpu.memory_space<hbm>>) target(%arg5 : memref<2x128xi32, #tpu.memory_space<vmem>>) target_semaphore(%run_scoped3A : memref<!tpu.dma_semaphore, #tpu.memory_space<semaphore_mem>>)
      %dma_wait3A_41 = arith.constant 0 : i32
      %dma_wait3A_42 = arith.constant 0 : i32
      %dma_wait3A_43 = tpu.memref_slice %arg2[%add3A, %dma_wait3A_41, %dma_wait3A_42] : memref<32x2x128xi32, #tpu.memory_space<hbm>> -> memref<1x2x128xi32, #tpu.memory_space<hbm>>
      %dma_wait3A_44 = tpu.memref_squeeze %dma_wait3A_43 : memref<1x2x128xi32, #tpu.memory_space<hbm>> -> memref<2x128xi32, #tpu.memory_space<hbm>>
      %dma_wait3A_45 = arith.constant 0 : i32
      %dma_wait3A_46 = arith.constant 0 : i32
      %dma_wait3A_47 = tpu.memref_slice %arg2[%add3A, %dma_wait3A_45, %dma_wait3A_46] : memref<32x2x128xi32, #tpu.memory_space<hbm>> -> memref<1x2x128xi32, #tpu.memory_space<hbm>>
      %dma_wait3A_48 = tpu.memref_squeeze %dma_wait3A_47 : memref<1x2x128xi32, #tpu.memory_space<hbm>> -> memref<2x128xi32, #tpu.memory_space<hbm>>
      tpu.wait_dma2 semaphore(%run_scoped3A : memref<!tpu.dma_semaphore, #tpu.memory_space<semaphore_mem>>) src(%dma_wait3A_48 : memref<2x128xi32, #tpu.memory_space<hbm>>) dst(%arg5 : memref<2x128xi32, #tpu.memory_space<vmem>>)
      tpu.yield
    }) : () -> ()
    %dma_start3A = arith.constant 0 : i32
    %dma_start3A_3 = arith.constant 0 : i32
    %dma_start3A_4 = tpu.memref_slice %arg5[%dma_start3A, %dma_start3A_3] : memref<2x128xi32, #tpu.memory_space<vmem>> -> memref<1x128xi32, #tpu.memory_space<vmem>>
    %dma_start3A_5 = tpu.memref_squeeze %dma_start3A_4 : memref<1x128xi32, #tpu.memory_space<vmem>> -> memref<128xi32, #tpu.memory_space<vmem>>
    %dma_start3A_6 = arith.constant 0 : i32
    %dma_start3A_7 = arith.constant 0 : i32
    %dma_start3A_8 = tpu.memref_slice %arg3[%dma_start3A_6, %dma_start3A_7] : memref<16384x256xf32, #tpu.memory_space<hbm>> -> memref<16384x256xf32, #tpu.memory_space<hbm>>
    tpu.enqueue_indirect_dma source(%dma_start3A_8 : memref<16384x256xf32, #tpu.memory_space<hbm>>) target(%arg6 : memref<128x256xf32, #tpu.memory_space<vmem>>) offsets(%dma_start3A_5 : memref<128xi32, #tpu.memory_space<vmem>>) semaphore(%arg7 : memref<!tpu.dma_semaphore, #tpu.memory_space<semaphore_mem>>)
    %dma_wait3A = arith.constant 0 : i32
    %dma_wait3A_9 = arith.constant 0 : i32
    %dma_wait3A_10 = tpu.memref_slice %arg5[%dma_wait3A, %dma_wait3A_9] : memref<2x128xi32, #tpu.memory_space<vmem>> -> memref<1x128xi32, #tpu.memory_space<vmem>>
    %dma_wait3A_11 = tpu.memref_squeeze %dma_wait3A_10 : memref<1x128xi32, #tpu.memory_space<vmem>> -> memref<128xi32, #tpu.memory_space<vmem>>
    %dma_wait3A_12 = arith.constant 0 : i32
    %dma_wait3A_13 = arith.constant 0 : i32
    %dma_wait3A_14 = tpu.memref_slice %arg3[%dma_wait3A_12, %dma_wait3A_13] : memref<16384x256xf32, #tpu.memory_space<hbm>> -> memref<16384x256xf32, #tpu.memory_space<hbm>>
    tpu.wait_indirect_dma semaphore(%arg7 : memref<!tpu.dma_semaphore, #tpu.memory_space<semaphore_mem>>) src(%dma_wait3A_14 : memref<16384x256xf32, #tpu.memory_space<hbm>>) dst(%arg6 : memref<128x256xf32, #tpu.memory_space<vmem>>)
    %add3A_15 = arith.constant 0 : i32
    %add3A_16 = arith.addi %mul3A_2, %add3A_15 : i32
    "tpu.region"() ({
      %run_scoped3A = tpu.sem_alloc : memref<!tpu.dma_semaphore, #tpu.memory_space<semaphore_mem>>
      %dma_start3A_33 = arith.constant 0 : i32
      %dma_start3A_34 = tpu.memref_slice %arg4[%add3A_16, %dma_start3A_33] : memref<8192x256xf32, #tpu.memory_space<hbm>> -> memref<128x256xf32, #tpu.memory_space<hbm>>
      %dma_start3A_35 = arith.constant 0 : i32
      %dma_start3A_36 = tpu.memref_slice %arg4[%add3A_16, %dma_start3A_35] : memref<8192x256xf32, #tpu.memory_space<hbm>> -> memref<128x256xf32, #tpu.memory_space<hbm>>
      tpu.enqueue_dma source(%arg6 : memref<128x256xf32, #tpu.memory_space<vmem>>) target(%dma_start3A_36 : memref<128x256xf32, #tpu.memory_space<hbm>>) target_semaphore(%run_scoped3A : memref<!tpu.dma_semaphore, #tpu.memory_space<semaphore_mem>>)
      %dma_wait3A_37 = arith.constant 0 : i32
      %dma_wait3A_38 = tpu.memref_slice %arg4[%add3A_16, %dma_wait3A_37] : memref<8192x256xf32, #tpu.memory_space<hbm>> -> memref<128x256xf32, #tpu.memory_space<hbm>>
      %dma_wait3A_39 = arith.constant 0 : i32
      %dma_wait3A_40 = tpu.memref_slice %arg4[%add3A_16, %dma_wait3A_39] : memref<8192x256xf32, #tpu.memory_space<hbm>> -> memref<128x256xf32, #tpu.memory_space<hbm>>
      tpu.wait_dma2 semaphore(%run_scoped3A : memref<!tpu.dma_semaphore, #tpu.memory_space<semaphore_mem>>) src(%arg6 : memref<128x256xf32, #tpu.memory_space<vmem>>) dst(%dma_wait3A_40 : memref<128x256xf32, #tpu.memory_space<hbm>>)
      tpu.yield
    }) : () -> ()
    %dma_start3A_17 = arith.constant 1 : i32
    %dma_start3A_18 = arith.constant 0 : i32
    %dma_start3A_19 = tpu.memref_slice %arg5[%dma_start3A_17, %dma_start3A_18] : memref<2x128xi32, #tpu.memory_space<vmem>> -> memref<1x128xi32, #tpu.memory_space<vmem>>
    %dma_start3A_20 = tpu.memref_squeeze %dma_start3A_19 : memref<1x128xi32, #tpu.memory_space<vmem>> -> memref<128xi32, #tpu.memory_space<vmem>>
    %dma_start3A_21 = arith.constant 0 : i32
    %dma_start3A_22 = arith.constant 0 : i32
    %dma_start3A_23 = tpu.memref_slice %arg3[%dma_start3A_21, %dma_start3A_22] : memref<16384x256xf32, #tpu.memory_space<hbm>> -> memref<16384x256xf32, #tpu.memory_space<hbm>>
    tpu.enqueue_indirect_dma source(%dma_start3A_23 : memref<16384x256xf32, #tpu.memory_space<hbm>>) target(%arg6 : memref<128x256xf32, #tpu.memory_space<vmem>>) offsets(%dma_start3A_20 : memref<128xi32, #tpu.memory_space<vmem>>) semaphore(%arg7 : memref<!tpu.dma_semaphore, #tpu.memory_space<semaphore_mem>>)
    %dma_wait3A_24 = arith.constant 1 : i32
    %dma_wait3A_25 = arith.constant 0 : i32
    %dma_wait3A_26 = tpu.memref_slice %arg5[%dma_wait3A_24, %dma_wait3A_25] : memref<2x128xi32, #tpu.memory_space<vmem>> -> memref<1x128xi32, #tpu.memory_space<vmem>>
    %dma_wait3A_27 = tpu.memref_squeeze %dma_wait3A_26 : memref<1x128xi32, #tpu.memory_space<vmem>> -> memref<128xi32, #tpu.memory_space<vmem>>
    %dma_wait3A_28 = arith.constant 0 : i32
    %dma_wait3A_29 = arith.constant 0 : i32
    %dma_wait3A_30 = tpu.memref_slice %arg3[%dma_wait3A_28, %dma_wait3A_29] : memref<16384x256xf32, #tpu.memory_space<hbm>> -> memref<16384x256xf32, #tpu.memory_space<hbm>>
    tpu.wait_indirect_dma semaphore(%arg7 : memref<!tpu.dma_semaphore, #tpu.memory_space<semaphore_mem>>) src(%dma_wait3A_30 : memref<16384x256xf32, #tpu.memory_space<hbm>>) dst(%arg6 : memref<128x256xf32, #tpu.memory_space<vmem>>)
    %add3A_31 = arith.constant 128 : i32
    %add3A_32 = arith.addi %mul3A_2, %add3A_31 : i32
    "tpu.region"() ({
      %run_scoped3A = tpu.sem_alloc : memref<!tpu.dma_semaphore, #tpu.memory_space<semaphore_mem>>
      %dma_start3A_33 = arith.constant 0 : i32
      %dma_start3A_34 = tpu.memref_slice %arg4[%add3A_32, %dma_start3A_33] : memref<8192x256xf32, #tpu.memory_space<hbm>> -> memref<128x256xf32, #tpu.memory_space<hbm>>
      %dma_start3A_35 = arith.constant 0 : i32
      %dma_start3A_36 = tpu.memref_slice %arg4[%add3A_32, %dma_start3A_35] : memref<8192x256xf32, #tpu.memory_space<hbm>> -> memref<128x256xf32, #tpu.memory_space<hbm>>
      tpu.enqueue_dma source(%arg6 : memref<128x256xf32, #tpu.memory_space<vmem>>) target(%dma_start3A_36 : memref<128x256xf32, #tpu.memory_space<hbm>>) target_semaphore(%run_scoped3A : memref<!tpu.dma_semaphore, #tpu.memory_space<semaphore_mem>>)
      %dma_wait3A_37 = arith.constant 0 : i32
      %dma_wait3A_38 = tpu.memref_slice %arg4[%add3A_32, %dma_wait3A_37] : memref<8192x256xf32, #tpu.memory_space<hbm>> -> memref<128x256xf32, #tpu.memory_space<hbm>>
      %dma_wait3A_39 = arith.constant 0 : i32
      %dma_wait3A_40 = tpu.memref_slice %arg4[%add3A_32, %dma_wait3A_39] : memref<8192x256xf32, #tpu.memory_space<hbm>> -> memref<128x256xf32, #tpu.memory_space<hbm>>
      tpu.wait_dma2 semaphore(%run_scoped3A : memref<!tpu.dma_semaphore, #tpu.memory_space<semaphore_mem>>) src(%arg6 : memref<128x256xf32, #tpu.memory_space<vmem>>) dst(%dma_wait3A_40 : memref<128x256xf32, #tpu.memory_space<hbm>>)
      tpu.yield
    }) : () -> ()
    return
  }
}

module attributes {stable_mosaic.version = 14 : i64} {
  func.func @_enc_body(%arg0: i32, %arg1: memref<512x9xf32, #tpu.memory_space<vmem>>, %arg2: memref<512x3xf32, #tpu.memory_space<vmem>>, %arg3: memref<512x1xf32, #tpu.memory_space<vmem>>, %arg4: memref<512x3xf32, #tpu.memory_space<vmem>>, %arg5: memref<512x1xf32, #tpu.memory_space<vmem>>, %arg6: memref<512x64xf32, #tpu.memory_space<vmem>>, %arg7: memref<128x64xf32, #tpu.memory_space<vmem>>, %arg8: memref<128x16xf32, #tpu.memory_space<vmem>>, %arg9: memref<128x16xf32, #tpu.memory_space<vmem>>, %arg10: memref<128x64xf32, #tpu.memory_space<vmem>>, %arg11: memref<196x832xf32, #tpu.memory_space<vmem>>, %arg12: memref<196xf32, #tpu.memory_space<vmem>>, %arg13: memref<192x196xf32, #tpu.memory_space<vmem>>, %arg14: memref<192xf32, #tpu.memory_space<vmem>>, %arg15: memref<512x192xf32, #tpu.memory_space<vmem>>) attributes {dimension_semantics = [#tpu.dimension_semantics<arbitrary>], iteration_bounds = array<i64: 16>, scalar_prefetch = 0 : i64, scratch_operands = 0 : i64, tpu.core_type = #tpu.core_type<tc>, window_params = [{transform_indices = @transform_0, window_bounds = array<i64: 512, 9>}, {transform_indices = @transform_1, window_bounds = array<i64: 512, 3>}, {transform_indices = @transform_2, window_bounds = array<i64: 512, 1>}, {transform_indices = @transform_3, window_bounds = array<i64: 512, 3>}, {transform_indices = @transform_4, window_bounds = array<i64: 512, 1>}, {transform_indices = @transform_5, window_bounds = array<i64: 512, 64>}, {pipeline_mode = #tpu.pipeline_mode<synchronous>, transform_indices = @transform_6, window_bounds = array<i64: 128, 64>}, {pipeline_mode = #tpu.pipeline_mode<synchronous>, transform_indices = @transform_7, window_bounds = array<i64: 128, 16>}, {pipeline_mode = #tpu.pipeline_mode<synchronous>, transform_indices = @transform_8, window_bounds = array<i64: 128, 16>}, {pipeline_mode = #tpu.pipeline_mode<synchronous>, transform_indices = @transform_9, window_bounds = array<i64: 128, 64>}, {pipeline_mode = #tpu.pipeline_mode<synchronous>, transform_indices = @transform_10, window_bounds = array<i64: 196, 832>}, {pipeline_mode = #tpu.pipeline_mode<synchronous>, transform_indices = @transform_11, window_bounds = array<i64: 196>}, {pipeline_mode = #tpu.pipeline_mode<synchronous>, transform_indices = @transform_12, window_bounds = array<i64: 192, 196>}, {pipeline_mode = #tpu.pipeline_mode<synchronous>, transform_indices = @transform_13, window_bounds = array<i64: 192>}, {transform_indices = @transform_14, window_bounds = array<i64: 512, 192>}]} {
    %iota3A = tpu.iota {dimensions = array<i32: 1>} : vector<512x128xi32>
    %get3A = arith.constant 0 : index
    %get3A_0 = arith.constant 0 : index
    %get3A_1 = vector.load %arg6[%get3A, %get3A_0] : memref<512x64xf32, #tpu.memory_space<vmem>>, vector<512x64xf32>
    %get3A_2 = arith.constant 0 : index
    %get3A_3 = arith.constant 0 : index
    %get3A_4 = vector.load %arg7[%get3A_2, %get3A_3] : memref<128x64xf32, #tpu.memory_space<vmem>>, vector<128x64xf32>
    %get3A_5 = arith.constant 0 : index
    %get3A_6 = arith.constant 0 : index
    %get3A_7 = vector.load %arg10[%get3A_5, %get3A_6] : memref<128x64xf32, #tpu.memory_space<vmem>>, vector<128x64xf32>
    %get3A_8 = arith.constant 0 : index
    %get3A_9 = arith.constant 0 : index
    %get3A_10 = vector.load %arg8[%get3A_8, %get3A_9] : memref<128x16xf32, #tpu.memory_space<vmem>>, vector<128x16xf32>
    %get3A_11 = arith.constant 0 : index
    %get3A_12 = arith.constant 0 : index
    %get3A_13 = vector.load %arg9[%get3A_11, %get3A_12] : memref<128x16xf32, #tpu.memory_space<vmem>>, vector<128x16xf32>
    %get3A_14 = arith.constant 0 : index
    %get3A_15 = arith.constant 0 : index
    %get3A_16 = vector.load %arg1[%get3A_14, %get3A_15] : memref<512x9xf32, #tpu.memory_space<vmem>>, vector<512x9xf32>
    %sub3A = arith.constant -1.000000e+00 : f32
    %sub3A_17 = vector.broadcast %sub3A : f32 to vector<512x9xf32>
    %sub3A_18 = arith.subf %get3A_16, %sub3A_17 : vector<512x9xf32>
    %div3A = arith.constant 2.000000e+00 : f32
    %div3A_19 = vector.broadcast %div3A : f32 to vector<512x9xf32>
    %div3A_20 = arith.divf %sub3A_18, %div3A_19 : vector<512x9xf32>
    %mul3A = arith.constant 1.270000e+02 : f32
    %mul3A_21 = vector.broadcast %mul3A : f32 to vector<512x9xf32>
    %mul3A_22 = arith.mulf %div3A_20, %mul3A_21 : vector<512x9xf32>
    %round3A = math.roundeven %mul3A_22 : vector<512x9xf32>
    %convert_element_type3A = arith.fptosi %round3A : vector<512x9xf32> to vector<512x9xi32>
    %get3A_23 = arith.constant 0 : index
    %get3A_24 = arith.constant 0 : index
    %get3A_25 = vector.load %arg4[%get3A_23, %get3A_24] : memref<512x3xf32, #tpu.memory_space<vmem>>, vector<512x3xf32>
    %sub3A_26 = arith.constant -1.000000e+00 : f32
    %sub3A_27 = vector.broadcast %sub3A_26 : f32 to vector<512x3xf32>
    %sub3A_28 = arith.subf %get3A_25, %sub3A_27 : vector<512x3xf32>
    %div3A_29 = arith.constant 2.000000e+00 : f32
    %div3A_30 = vector.broadcast %div3A_29 : f32 to vector<512x3xf32>
    %div3A_31 = arith.divf %sub3A_28, %div3A_30 : vector<512x3xf32>
    %mul3A_32 = arith.constant 1.270000e+02 : f32
    %mul3A_33 = vector.broadcast %mul3A_32 : f32 to vector<512x3xf32>
    %mul3A_34 = arith.mulf %div3A_31, %mul3A_33 : vector<512x3xf32>
    %round3A_35 = math.roundeven %mul3A_34 : vector<512x3xf32>
    %convert_element_type3A_36 = arith.fptosi %round3A_35 : vector<512x3xf32> to vector<512x3xi32>
    %get3A_37 = arith.constant 0 : index
    %get3A_38 = arith.constant 0 : index
    %get3A_39 = vector.load %arg2[%get3A_37, %get3A_38] : memref<512x3xf32, #tpu.memory_space<vmem>>, vector<512x3xf32>
    %sub3A_40 = arith.constant 0.000000e+00 : f32
    %sub3A_41 = vector.broadcast %sub3A_40 : f32 to vector<512x3xf32>
    %sub3A_42 = arith.subf %get3A_39, %sub3A_41 : vector<512x3xf32>
    %div3A_43 = arith.constant 3.14159274 : f32
    %div3A_44 = vector.broadcast %div3A_43 : f32 to vector<512x3xf32>
    %div3A_45 = arith.divf %sub3A_42, %div3A_44 : vector<512x3xf32>
    %mul3A_46 = arith.constant 1.270000e+02 : f32
    %mul3A_47 = vector.broadcast %mul3A_46 : f32 to vector<512x3xf32>
    %mul3A_48 = arith.mulf %div3A_45, %mul3A_47 : vector<512x3xf32>
    %round3A_49 = math.roundeven %mul3A_48 : vector<512x3xf32>
    %convert_element_type3A_50 = arith.fptosi %round3A_49 : vector<512x3xf32> to vector<512x3xi32>
    %get3A_51 = arith.constant 0 : index
    %get3A_52 = arith.constant 0 : index
    %get3A_53 = vector.load %arg3[%get3A_51, %get3A_52] : memref<512x1xf32, #tpu.memory_space<vmem>>, vector<512x1xf32>
    %sub3A_54 = arith.constant 0.000000e+00 : f32
    %sub3A_55 = vector.broadcast %sub3A_54 : f32 to vector<512x1xf32>
    %sub3A_56 = arith.subf %get3A_53, %sub3A_55 : vector<512x1xf32>
    %div3A_57 = arith.constant 4.000000e+00 : f32
    %div3A_58 = vector.broadcast %div3A_57 : f32 to vector<512x1xf32>
    %div3A_59 = arith.divf %sub3A_56, %div3A_58 : vector<512x1xf32>
    %mul3A_60 = arith.constant 1.270000e+02 : f32
    %mul3A_61 = vector.broadcast %mul3A_60 : f32 to vector<512x1xf32>
    %mul3A_62 = arith.mulf %div3A_59, %mul3A_61 : vector<512x1xf32>
    %round3A_63 = math.roundeven %mul3A_62 : vector<512x1xf32>
    %convert_element_type3A_64 = arith.fptosi %round3A_63 : vector<512x1xf32> to vector<512x1xi32>
    %slice3A = vector.extract_strided_slice %convert_element_type3A {offsets = [0, 0], sizes = [512, 1], strides = [1, 1]} : vector<512x9xi32> to vector<512x1xi32>
    %eq3A = vector.broadcast %slice3A : vector<512x1xi32> to vector<512x128xi32>
    %eq3A_65 = arith.cmpi eq, %eq3A, %iota3A : vector<512x128xi32>
    %convert_element_type3A_66 = arith.extui %eq3A_65 : vector<512x128xi1> to vector<512x128xi32>
    %convert_element_type3A_67 = arith.sitofp %convert_element_type3A_66 : vector<512x128xi32> to vector<512x128xf32>
    %dot_general3A = arith.constant dense<0.000000e+00> : vector<512x64xf32>
    %dot_general3A_68 = tpu.matmul %convert_element_type3A_67, %get3A_4, %dot_general3A {dimension_numbers = #tpu.dot_dimension_numbers<[1], [0], [0], [1], [0, 0, 1, 1], [], []>, precision = #tpu.contract_precision<fp32>, transpose_lhs_hint = false} : vector<512x128xf32>, vector<128x64xf32>, vector<512x64xf32> -> vector<512x64xf32>
    %add3A = arith.addf %dot_general3A_68, %get3A_1 : vector<512x64xf32>
    %slice3A_69 = vector.extract_strided_slice %convert_element_type3A {offsets = [0, 1], sizes = [512, 1], strides = [1, 1]} : vector<512x9xi32> to vector<512x1xi32>
    %eq3A_70 = vector.broadcast %slice3A_69 : vector<512x1xi32> to vector<512x128xi32>
    %eq3A_71 = arith.cmpi eq, %eq3A_70, %iota3A : vector<512x128xi32>
    %convert_element_type3A_72 = arith.extui %eq3A_71 : vector<512x128xi1> to vector<512x128xi32>
    %convert_element_type3A_73 = arith.sitofp %convert_element_type3A_72 : vector<512x128xi32> to vector<512x128xf32>
    %dot_general3A_74 = arith.constant dense<0.000000e+00> : vector<512x64xf32>
    %dot_general3A_75 = tpu.matmul %convert_element_type3A_73, %get3A_4, %dot_general3A_74 {dimension_numbers = #tpu.dot_dimension_numbers<[1], [0], [0], [1], [0, 0, 1, 1], [], []>, precision = #tpu.contract_precision<fp32>, transpose_lhs_hint = false} : vector<512x128xf32>, vector<128x64xf32>, vector<512x64xf32> -> vector<512x64xf32>
    %add3A_76 = arith.addf %dot_general3A_75, %get3A_1 : vector<512x64xf32>
    %slice3A_77 = vector.extract_strided_slice %convert_element_type3A {offsets = [0, 2], sizes = [512, 1], strides = [1, 1]} : vector<512x9xi32> to vector<512x1xi32>
    %eq3A_78 = vector.broadcast %slice3A_77 : vector<512x1xi32> to vector<512x128xi32>
    %eq3A_79 = arith.cmpi eq, %eq3A_78, %iota3A : vector<512x128xi32>
    %convert_element_type3A_80 = arith.extui %eq3A_79 : vector<512x128xi1> to vector<512x128xi32>
    %convert_element_type3A_81 = arith.sitofp %convert_element_type3A_80 : vector<512x128xi32> to vector<512x128xf32>
    %dot_general3A_82 = arith.constant dense<0.000000e+00> : vector<512x64xf32>
    %dot_general3A_83 = tpu.matmul %convert_element_type3A_81, %get3A_4, %dot_general3A_82 {dimension_numbers = #tpu.dot_dimension_numbers<[1], [0], [0], [1], [0, 0, 1, 1], [], []>, precision = #tpu.contract_precision<fp32>, transpose_lhs_hint = false} : vector<512x128xf32>, vector<128x64xf32>, vector<512x64xf32> -> vector<512x64xf32>
    %add3A_84 = arith.addf %dot_general3A_83, %get3A_1 : vector<512x64xf32>
    %slice3A_85 = vector.extract_strided_slice %convert_element_type3A {offsets = [0, 3], sizes = [512, 1], strides = [1, 1]} : vector<512x9xi32> to vector<512x1xi32>
    %eq3A_86 = vector.broadcast %slice3A_85 : vector<512x1xi32> to vector<512x128xi32>
    %eq3A_87 = arith.cmpi eq, %eq3A_86, %iota3A : vector<512x128xi32>
    %convert_element_type3A_88 = arith.extui %eq3A_87 : vector<512x128xi1> to vector<512x128xi32>
    %convert_element_type3A_89 = arith.sitofp %convert_element_type3A_88 : vector<512x128xi32> to vector<512x128xf32>
    %dot_general3A_90 = arith.constant dense<0.000000e+00> : vector<512x64xf32>
    %dot_general3A_91 = tpu.matmul %convert_element_type3A_89, %get3A_4, %dot_general3A_90 {dimension_numbers = #tpu.dot_dimension_numbers<[1], [0], [0], [1], [0, 0, 1, 1], [], []>, precision = #tpu.contract_precision<fp32>, transpose_lhs_hint = false} : vector<512x128xf32>, vector<128x64xf32>, vector<512x64xf32> -> vector<512x64xf32>
    %add3A_92 = arith.addf %dot_general3A_91, %get3A_1 : vector<512x64xf32>
    %slice3A_93 = vector.extract_strided_slice %convert_element_type3A {offsets = [0, 4], sizes = [512, 1], strides = [1, 1]} : vector<512x9xi32> to vector<512x1xi32>
    %eq3A_94 = vector.broadcast %slice3A_93 : vector<512x1xi32> to vector<512x128xi32>
    %eq3A_95 = arith.cmpi eq, %eq3A_94, %iota3A : vector<512x128xi32>
    %convert_element_type3A_96 = arith.extui %eq3A_95 : vector<512x128xi1> to vector<512x128xi32>
    %convert_element_type3A_97 = arith.sitofp %convert_element_type3A_96 : vector<512x128xi32> to vector<512x128xf32>
    %dot_general3A_98 = arith.constant dense<0.000000e+00> : vector<512x64xf32>
    %dot_general3A_99 = tpu.matmul %convert_element_type3A_97, %get3A_4, %dot_general3A_98 {dimension_numbers = #tpu.dot_dimension_numbers<[1], [0], [0], [1], [0, 0, 1, 1], [], []>, precision = #tpu.contract_precision<fp32>, transpose_lhs_hint = false} : vector<512x128xf32>, vector<128x64xf32>, vector<512x64xf32> -> vector<512x64xf32>
    %add3A_100 = arith.addf %dot_general3A_99, %get3A_1 : vector<512x64xf32>
    %slice3A_101 = vector.extract_strided_slice %convert_element_type3A {offsets = [0, 5], sizes = [512, 1], strides = [1, 1]} : vector<512x9xi32> to vector<512x1xi32>
    %eq3A_102 = vector.broadcast %slice3A_101 : vector<512x1xi32> to vector<512x128xi32>
    %eq3A_103 = arith.cmpi eq, %eq3A_102, %iota3A : vector<512x128xi32>
    %convert_element_type3A_104 = arith.extui %eq3A_103 : vector<512x128xi1> to vector<512x128xi32>
    %convert_element_type3A_105 = arith.sitofp %convert_element_type3A_104 : vector<512x128xi32> to vector<512x128xf32>
    %dot_general3A_106 = arith.constant dense<0.000000e+00> : vector<512x64xf32>
    %dot_general3A_107 = tpu.matmul %convert_element_type3A_105, %get3A_4, %dot_general3A_106 {dimension_numbers = #tpu.dot_dimension_numbers<[1], [0], [0], [1], [0, 0, 1, 1], [], []>, precision = #tpu.contract_precision<fp32>, transpose_lhs_hint = false} : vector<512x128xf32>, vector<128x64xf32>, vector<512x64xf32> -> vector<512x64xf32>
    %add3A_108 = arith.addf %dot_general3A_107, %get3A_1 : vector<512x64xf32>
    %slice3A_109 = vector.extract_strided_slice %convert_element_type3A {offsets = [0, 6], sizes = [512, 1], strides = [1, 1]} : vector<512x9xi32> to vector<512x1xi32>
    %eq3A_110 = vector.broadcast %slice3A_109 : vector<512x1xi32> to vector<512x128xi32>
    %eq3A_111 = arith.cmpi eq, %eq3A_110, %iota3A : vector<512x128xi32>
    %convert_element_type3A_112 = arith.extui %eq3A_111 : vector<512x128xi1> to vector<512x128xi32>
    %convert_element_type3A_113 = arith.sitofp %convert_element_type3A_112 : vector<512x128xi32> to vector<512x128xf32>
    %dot_general3A_114 = arith.constant dense<0.000000e+00> : vector<512x64xf32>
    %dot_general3A_115 = tpu.matmul %convert_element_type3A_113, %get3A_4, %dot_general3A_114 {dimension_numbers = #tpu.dot_dimension_numbers<[1], [0], [0], [1], [0, 0, 1, 1], [], []>, precision = #tpu.contract_precision<fp32>, transpose_lhs_hint = false} : vector<512x128xf32>, vector<128x64xf32>, vector<512x64xf32> -> vector<512x64xf32>
    %add3A_116 = arith.addf %dot_general3A_115, %get3A_1 : vector<512x64xf32>
    %slice3A_117 = vector.extract_strided_slice %convert_element_type3A {offsets = [0, 7], sizes = [512, 1], strides = [1, 1]} : vector<512x9xi32> to vector<512x1xi32>
    %eq3A_118 = vector.broadcast %slice3A_117 : vector<512x1xi32> to vector<512x128xi32>
    %eq3A_119 = arith.cmpi eq, %eq3A_118, %iota3A : vector<512x128xi32>
    %convert_element_type3A_120 = arith.extui %eq3A_119 : vector<512x128xi1> to vector<512x128xi32>
    %convert_element_type3A_121 = arith.sitofp %convert_element_type3A_120 : vector<512x128xi32> to vector<512x128xf32>
    %dot_general3A_122 = arith.constant dense<0.000000e+00> : vector<512x64xf32>
    %dot_general3A_123 = tpu.matmul %convert_element_type3A_121, %get3A_4, %dot_general3A_122 {dimension_numbers = #tpu.dot_dimension_numbers<[1], [0], [0], [1], [0, 0, 1, 1], [], []>, precision = #tpu.contract_precision<fp32>, transpose_lhs_hint = false} : vector<512x128xf32>, vector<128x64xf32>, vector<512x64xf32> -> vector<512x64xf32>
    %add3A_124 = arith.addf %dot_general3A_123, %get3A_1 : vector<512x64xf32>
    %slice3A_125 = vector.extract_strided_slice %convert_element_type3A {offsets = [0, 8], sizes = [512, 1], strides = [1, 1]} : vector<512x9xi32> to vector<512x1xi32>
    %eq3A_126 = vector.broadcast %slice3A_125 : vector<512x1xi32> to vector<512x128xi32>
    %eq3A_127 = arith.cmpi eq, %eq3A_126, %iota3A : vector<512x128xi32>
    %convert_element_type3A_128 = arith.extui %eq3A_127 : vector<512x128xi1> to vector<512x128xi32>
    %convert_element_type3A_129 = arith.sitofp %convert_element_type3A_128 : vector<512x128xi32> to vector<512x128xf32>
    %dot_general3A_130 = arith.constant dense<0.000000e+00> : vector<512x64xf32>
    %dot_general3A_131 = tpu.matmul %convert_element_type3A_129, %get3A_4, %dot_general3A_130 {dimension_numbers = #tpu.dot_dimension_numbers<[1], [0], [0], [1], [0, 0, 1, 1], [], []>, precision = #tpu.contract_precision<fp32>, transpose_lhs_hint = false} : vector<512x128xf32>, vector<128x64xf32>, vector<512x64xf32> -> vector<512x64xf32>
    %add3A_132 = arith.addf %dot_general3A_131, %get3A_1 : vector<512x64xf32>
    %slice3A_133 = vector.extract_strided_slice %convert_element_type3A_36 {offsets = [0, 0], sizes = [512, 1], strides = [1, 1]} : vector<512x3xi32> to vector<512x1xi32>
    %eq3A_134 = vector.broadcast %slice3A_133 : vector<512x1xi32> to vector<512x128xi32>
    %eq3A_135 = arith.cmpi eq, %eq3A_134, %iota3A : vector<512x128xi32>
    %convert_element_type3A_136 = arith.extui %eq3A_135 : vector<512x128xi1> to vector<512x128xi32>
    %convert_element_type3A_137 = arith.sitofp %convert_element_type3A_136 : vector<512x128xi32> to vector<512x128xf32>
    %dot_general3A_138 = arith.constant dense<0.000000e+00> : vector<512x64xf32>
    %dot_general3A_139 = tpu.matmul %convert_element_type3A_137, %get3A_7, %dot_general3A_138 {dimension_numbers = #tpu.dot_dimension_numbers<[1], [0], [0], [1], [0, 0, 1, 1], [], []>, precision = #tpu.contract_precision<fp32>, transpose_lhs_hint = false} : vector<512x128xf32>, vector<128x64xf32>, vector<512x64xf32> -> vector<512x64xf32>
    %slice3A_140 = vector.extract_strided_slice %convert_element_type3A_36 {offsets = [0, 1], sizes = [512, 1], strides = [1, 1]} : vector<512x3xi32> to vector<512x1xi32>
    %eq3A_141 = vector.broadcast %slice3A_140 : vector<512x1xi32> to vector<512x128xi32>
    %eq3A_142 = arith.cmpi eq, %eq3A_141, %iota3A : vector<512x128xi32>
    %convert_element_type3A_143 = arith.extui %eq3A_142 : vector<512x128xi1> to vector<512x128xi32>
    %convert_element_type3A_144 = arith.sitofp %convert_element_type3A_143 : vector<512x128xi32> to vector<512x128xf32>
    %dot_general3A_145 = arith.constant dense<0.000000e+00> : vector<512x64xf32>
    %dot_general3A_146 = tpu.matmul %convert_element_type3A_144, %get3A_7, %dot_general3A_145 {dimension_numbers = #tpu.dot_dimension_numbers<[1], [0], [0], [1], [0, 0, 1, 1], [], []>, precision = #tpu.contract_precision<fp32>, transpose_lhs_hint = false} : vector<512x128xf32>, vector<128x64xf32>, vector<512x64xf32> -> vector<512x64xf32>
    %slice3A_147 = vector.extract_strided_slice %convert_element_type3A_36 {offsets = [0, 2], sizes = [512, 1], strides = [1, 1]} : vector<512x3xi32> to vector<512x1xi32>
    %eq3A_148 = vector.broadcast %slice3A_147 : vector<512x1xi32> to vector<512x128xi32>
    %eq3A_149 = arith.cmpi eq, %eq3A_148, %iota3A : vector<512x128xi32>
    %convert_element_type3A_150 = arith.extui %eq3A_149 : vector<512x128xi1> to vector<512x128xi32>
    %convert_element_type3A_151 = arith.sitofp %convert_element_type3A_150 : vector<512x128xi32> to vector<512x128xf32>
    %dot_general3A_152 = arith.constant dense<0.000000e+00> : vector<512x64xf32>
    %dot_general3A_153 = tpu.matmul %convert_element_type3A_151, %get3A_7, %dot_general3A_152 {dimension_numbers = #tpu.dot_dimension_numbers<[1], [0], [0], [1], [0, 0, 1, 1], [], []>, precision = #tpu.contract_precision<fp32>, transpose_lhs_hint = false} : vector<512x128xf32>, vector<128x64xf32>, vector<512x64xf32> -> vector<512x64xf32>
    %slice3A_154 = vector.extract_strided_slice %convert_element_type3A_50 {offsets = [0, 0], sizes = [512, 1], strides = [1, 1]} : vector<512x3xi32> to vector<512x1xi32>
    %eq3A_155 = vector.broadcast %slice3A_154 : vector<512x1xi32> to vector<512x128xi32>
    %eq3A_156 = arith.cmpi eq, %eq3A_155, %iota3A : vector<512x128xi32>
    %convert_element_type3A_157 = arith.extui %eq3A_156 : vector<512x128xi1> to vector<512x128xi32>
    %convert_element_type3A_158 = arith.sitofp %convert_element_type3A_157 : vector<512x128xi32> to vector<512x128xf32>
    %dot_general3A_159 = arith.constant dense<0.000000e+00> : vector<512x16xf32>
    %dot_general3A_160 = tpu.matmul %convert_element_type3A_158, %get3A_10, %dot_general3A_159 {dimension_numbers = #tpu.dot_dimension_numbers<[1], [0], [0], [1], [0, 0, 1, 1], [], []>, precision = #tpu.contract_precision<fp32>, transpose_lhs_hint = false} : vector<512x128xf32>, vector<128x16xf32>, vector<512x16xf32> -> vector<512x16xf32>
    %slice3A_161 = vector.extract_strided_slice %convert_element_type3A_50 {offsets = [0, 1], sizes = [512, 1], strides = [1, 1]} : vector<512x3xi32> to vector<512x1xi32>
    %eq3A_162 = vector.broadcast %slice3A_161 : vector<512x1xi32> to vector<512x128xi32>
    %eq3A_163 = arith.cmpi eq, %eq3A_162, %iota3A : vector<512x128xi32>
    %convert_element_type3A_164 = arith.extui %eq3A_163 : vector<512x128xi1> to vector<512x128xi32>
    %convert_element_type3A_165 = arith.sitofp %convert_element_type3A_164 : vector<512x128xi32> to vector<512x128xf32>
    %dot_general3A_166 = arith.constant dense<0.000000e+00> : vector<512x16xf32>
    %dot_general3A_167 = tpu.matmul %convert_element_type3A_165, %get3A_10, %dot_general3A_166 {dimension_numbers = #tpu.dot_dimension_numbers<[1], [0], [0], [1], [0, 0, 1, 1], [], []>, precision = #tpu.contract_precision<fp32>, transpose_lhs_hint = false} : vector<512x128xf32>, vector<128x16xf32>, vector<512x16xf32> -> vector<512x16xf32>
    %slice3A_168 = vector.extract_strided_slice %convert_element_type3A_50 {offsets = [0, 2], sizes = [512, 1], strides = [1, 1]} : vector<512x3xi32> to vector<512x1xi32>
    %eq3A_169 = vector.broadcast %slice3A_168 : vector<512x1xi32> to vector<512x128xi32>
    %eq3A_170 = arith.cmpi eq, %eq3A_169, %iota3A : vector<512x128xi32>
    %convert_element_type3A_171 = arith.extui %eq3A_170 : vector<512x128xi1> to vector<512x128xi32>
    %convert_element_type3A_172 = arith.sitofp %convert_element_type3A_171 : vector<512x128xi32> to vector<512x128xf32>
    %dot_general3A_173 = arith.constant dense<0.000000e+00> : vector<512x16xf32>
    %dot_general3A_174 = tpu.matmul %convert_element_type3A_172, %get3A_10, %dot_general3A_173 {dimension_numbers = #tpu.dot_dimension_numbers<[1], [0], [0], [1], [0, 0, 1, 1], [], []>, precision = #tpu.contract_precision<fp32>, transpose_lhs_hint = false} : vector<512x128xf32>, vector<128x16xf32>, vector<512x16xf32> -> vector<512x16xf32>
    %eq3A_175 = vector.broadcast %convert_element_type3A_64 : vector<512x1xi32> to vector<512x128xi32>
    %eq3A_176 = arith.cmpi eq, %eq3A_175, %iota3A : vector<512x128xi32>
    %convert_element_type3A_177 = arith.extui %eq3A_176 : vector<512x128xi1> to vector<512x128xi32>
    %convert_element_type3A_178 = arith.sitofp %convert_element_type3A_177 : vector<512x128xi32> to vector<512x128xf32>
    %dot_general3A_179 = arith.constant dense<0.000000e+00> : vector<512x16xf32>
    %dot_general3A_180 = tpu.matmul %convert_element_type3A_178, %get3A_13, %dot_general3A_179 {dimension_numbers = #tpu.dot_dimension_numbers<[1], [0], [0], [1], [0, 0, 1, 1], [], []>, precision = #tpu.contract_precision<fp32>, transpose_lhs_hint = false} : vector<512x128xf32>, vector<128x16xf32>, vector<512x16xf32> -> vector<512x16xf32>
    %concatenate3A = tpu.concatenate %add3A, %add3A_76, %add3A_84, %add3A_92, %add3A_100, %add3A_108, %add3A_116, %add3A_124, %add3A_132, %dot_general3A_139, %dot_general3A_146, %dot_general3A_153, %dot_general3A_160, %dot_general3A_167, %dot_general3A_174, %dot_general3A_180 in 1 : vector<512x64xf32>, vector<512x64xf32>, vector<512x64xf32>, vector<512x64xf32>, vector<512x64xf32>, vector<512x64xf32>, vector<512x64xf32>, vector<512x64xf32>, vector<512x64xf32>, vector<512x64xf32>, vector<512x64xf32>, vector<512x64xf32>, vector<512x16xf32>, vector<512x16xf32>, vector<512x16xf32>, vector<512x16xf32> -> vector<512x832xf32>
    %convert_element_type3A_181 = arith.truncf %concatenate3A : vector<512x832xf32> to vector<512x832xbf16>
    %convert_element_type3A_182 = arith.extf %convert_element_type3A_181 : vector<512x832xbf16> to vector<512x832xf32>
    %get3A_183 = arith.constant 0 : index
    %get3A_184 = arith.constant 0 : index
    %get3A_185 = vector.load %arg11[%get3A_183, %get3A_184] : memref<196x832xf32, #tpu.memory_space<vmem>>, vector<196x832xf32>
    %dot_general3A_186 = arith.constant dense<0.000000e+00> : vector<512x196xf32>
    %dot_general3A_187 = tpu.matmul %convert_element_type3A_182, %get3A_185, %dot_general3A_186 {dimension_numbers = #tpu.dot_dimension_numbers<[1], [1], [0], [0], [0, 0, 1, 0], [], []>, transpose_lhs_hint = false} : vector<512x832xf32>, vector<196x832xf32>, vector<512x196xf32> -> vector<512x196xf32>
    %get3A_188 = arith.constant 0 : index
    %get3A_189 = vector.load %arg12[%get3A_188] : memref<196xf32, #tpu.memory_space<vmem>>, vector<196xf32>
    %broadcast_in_dim3A = vector.shape_cast %get3A_189 : vector<196xf32> to vector<1x196xf32>
    %add3A_190 = vector.broadcast %broadcast_in_dim3A : vector<1x196xf32> to vector<512x196xf32>
    %add3A_191 = arith.addf %dot_general3A_187, %add3A_190 : vector<512x196xf32>
    %get3A_192 = arith.constant 0 : index
    %get3A_193 = arith.constant 0 : index
    %get3A_194 = vector.load %arg5[%get3A_192, %get3A_193] : memref<512x1xf32, #tpu.memory_space<vmem>>, vector<512x1xf32>
    %ne3A = arith.constant 0.000000e+00 : f32
    %ne3A_195 = vector.broadcast %ne3A : f32 to vector<512x1xf32>
    %ne3A_196 = arith.cmpf one, %get3A_194, %ne3A_195 : vector<512x1xf32>
    %jit3A = arith.constant 0.000000e+00 : f32
    %broadcast_in_dim3A_197 = vector.shape_cast %ne3A_196 : vector<512x1xi1> to vector<512x1xi1>
    %broadcast_in_dim3A_198 = vector.broadcast %broadcast_in_dim3A_197 : vector<512x1xi1> to vector<512x196xi1>
    %broadcast_in_dim3A_199 = vector.broadcast %jit3A : f32 to vector<512x196xf32>
    %select_n3A = arith.select %broadcast_in_dim3A_198, %add3A_191, %broadcast_in_dim3A_199 : vector<512x196xi1>, vector<512x196xf32>
    %convert_element_type3A_200 = arith.truncf %select_n3A : vector<512x196xf32> to vector<512x196xbf16>
    %convert_element_type3A_201 = arith.extf %convert_element_type3A_200 : vector<512x196xbf16> to vector<512x196xf32>
    %get3A_202 = arith.constant 0 : index
    %get3A_203 = arith.constant 0 : index
    %get3A_204 = vector.load %arg13[%get3A_202, %get3A_203] : memref<192x196xf32, #tpu.memory_space<vmem>>, vector<192x196xf32>
    %dot_general3A_205 = arith.constant dense<0.000000e+00> : vector<512x192xf32>
    %dot_general3A_206 = tpu.matmul %convert_element_type3A_201, %get3A_204, %dot_general3A_205 {dimension_numbers = #tpu.dot_dimension_numbers<[1], [1], [0], [0], [0, 0, 1, 0], [], []>, transpose_lhs_hint = false} : vector<512x196xf32>, vector<192x196xf32>, vector<512x192xf32> -> vector<512x192xf32>
    %get3A_207 = arith.constant 0 : index
    %get3A_208 = vector.load %arg14[%get3A_207] : memref<192xf32, #tpu.memory_space<vmem>>, vector<192xf32>
    %broadcast_in_dim3A_209 = vector.shape_cast %get3A_208 : vector<192xf32> to vector<1x192xf32>
    %add3A_210 = vector.broadcast %broadcast_in_dim3A_209 : vector<1x192xf32> to vector<512x192xf32>
    %add3A_211 = arith.addf %dot_general3A_206, %add3A_210 : vector<512x192xf32>
    %swap3A = arith.constant 0 : index
    %swap3A_212 = arith.constant 0 : index
    %swap3A_213 = vector.load %arg15[%swap3A, %swap3A_212] : memref<512x192xf32, #tpu.memory_space<vmem>>, vector<512x192xf32>
    tpu.vector_store %arg15[%swap3A, %swap3A_212], %add3A_211 {strides = array<i32>} : memref<512x192xf32, #tpu.memory_space<vmem>>, vector<512x192xf32>,
    return
  }
  func.func @transform_0(%arg0: i32) -> (i32, i32) {
    %c0_i32 = arith.constant 0 : i32
    %c0_i32_0 = arith.constant 0 : i32
    return %arg0, %c0_i32 : i32, i32
  }
  func.func @transform_1(%arg0: i32) -> (i32, i32) {
    %c0_i32 = arith.constant 0 : i32
    %c0_i32_0 = arith.constant 0 : i32
    return %arg0, %c0_i32 : i32, i32
  }
  func.func @transform_2(%arg0: i32) -> (i32, i32) {
    %c0_i32 = arith.constant 0 : i32
    %c0_i32_0 = arith.constant 0 : i32
    return %arg0, %c0_i32 : i32, i32
  }
  func.func @transform_3(%arg0: i32) -> (i32, i32) {
    %c0_i32 = arith.constant 0 : i32
    %c0_i32_0 = arith.constant 0 : i32
    return %arg0, %c0_i32 : i32, i32
  }
  func.func @transform_4(%arg0: i32) -> (i32, i32) {
    %c0_i32 = arith.constant 0 : i32
    %c0_i32_0 = arith.constant 0 : i32
    return %arg0, %c0_i32 : i32, i32
  }
  func.func @transform_5(%arg0: i32) -> (i32, i32) {
    %jit3A = arith.constant 4 : i32
    %eq3A = arith.constant 0 : i32
    %eq3A_0 = arith.cmpi eq, %jit3A, %eq3A : i32
    %jit3A_1 = arith.constant 1 : i32
    %select_n3A = arith.select %eq3A_0, %jit3A_1, %jit3A : i32
    %rem3A = arith.remsi %arg0, %select_n3A : i32
    %ne3A = arith.constant 0 : i32
    %ne3A_2 = arith.cmpi ne, %rem3A, %ne3A : i32
    %lt3A = arith.constant 0 : i32
    %lt3A_3 = arith.cmpi slt, %rem3A, %lt3A : i32
    %lt3A_4 = arith.constant 0 : i32
    %lt3A_5 = arith.cmpi slt, %select_n3A, %lt3A_4 : i32
    %ne3A_6 = arith.xori %lt3A_3, %lt3A_5 : i1
    %and3A = arith.andi %ne3A_6, %ne3A_2 : i1
    %add3A = arith.addi %rem3A, %select_n3A : i32
    %select_n3A_7 = arith.select %and3A, %add3A, %rem3A : i32
    %c0_i32 = arith.constant 0 : i32
    %c0_i32_8 = arith.constant 0 : i32
    return %select_n3A_7, %c0_i32 : i32, i32
  }
  func.func @transform_6(%arg0: i32) -> (i32, i32) {
    %c0_i32 = arith.constant 0 : i32
    %c0_i32_0 = arith.constant 0 : i32
    %c0_i32_1 = arith.constant 0 : i32
    return %c0_i32, %c0_i32_0 : i32, i32
  }
  func.func @transform_7(%arg0: i32) -> (i32, i32) {
    %c0_i32 = arith.constant 0 : i32
    %c0_i32_0 = arith.constant 0 : i32
    %c0_i32_1 = arith.constant 0 : i32
    return %c0_i32, %c0_i32_0 : i32, i32
  }
  func.func @transform_8(%arg0: i32) -> (i32, i32) {
    %c0_i32 = arith.constant 0 : i32
    %c0_i32_0 = arith.constant 0 : i32
    %c0_i32_1 = arith.constant 0 : i32
    return %c0_i32, %c0_i32_0 : i32, i32
  }
  func.func @transform_9(%arg0: i32) -> (i32, i32) {
    %c0_i32 = arith.constant 0 : i32
    %c0_i32_0 = arith.constant 0 : i32
    %c0_i32_1 = arith.constant 0 : i32
    return %c0_i32, %c0_i32_0 : i32, i32
  }
  func.func @transform_10(%arg0: i32) -> (i32, i32) {
    %c0_i32 = arith.constant 0 : i32
    %c0_i32_0 = arith.constant 0 : i32
    %c0_i32_1 = arith.constant 0 : i32
    return %c0_i32, %c0_i32_0 : i32, i32
  }
  func.func @transform_11(%arg0: i32) -> i32 {
    %c0_i32 = arith.constant 0 : i32
    %c0_i32_0 = arith.constant 0 : i32
    return %c0_i32 : i32
  }
  func.func @transform_12(%arg0: i32) -> (i32, i32) {
    %c0_i32 = arith.constant 0 : i32
    %c0_i32_0 = arith.constant 0 : i32
    %c0_i32_1 = arith.constant 0 : i32
    return %c0_i32, %c0_i32_0 : i32, i32
  }
  func.func @transform_13(%arg0: i32) -> i32 {
    %c0_i32 = arith.constant 0 : i32
    %c0_i32_0 = arith.constant 0 : i32
    return %c0_i32 : i32
  }
  func.func @transform_14(%arg0: i32) -> (i32, i32) {
    %c0_i32 = arith.constant 0 : i32
    %c0_i32_0 = arith.constant 0 : i32
    return %arg0, %c0_i32 : i32, i32
  }
}

module attributes {stable_mosaic.version = 14 : i64} {
  func.func @_score_body(%arg0: i32, %arg1: memref<512x192xf32, #tpu.memory_space<vmem>>, %arg2: memref<512xf32, #tpu.memory_space<vmem>>, %arg3: memref<16384x192xf32, #tpu.memory_space<vmem>>, %arg4: memref<16384xf32, #tpu.memory_space<vmem>>, %arg5: memref<512xi32, #tpu.memory_space<vmem>>) attributes {dimension_semantics = [#tpu.dimension_semantics<arbitrary>], iteration_bounds = array<i64: 16>, scalar_prefetch = 0 : i64, scratch_operands = 0 : i64, tpu.core_type = #tpu.core_type<tc>, window_params = [{transform_indices = @transform_0, window_bounds = array<i64: 512, 192>}, {transform_indices = @transform_1, window_bounds = array<i64: 512>}, {pipeline_mode = #tpu.pipeline_mode<synchronous>, transform_indices = @transform_2, window_bounds = array<i64: 16384, 192>}, {pipeline_mode = #tpu.pipeline_mode<synchronous>, transform_indices = @transform_3, window_bounds = array<i64: 16384>}, {transform_indices = @transform_4, window_bounds = array<i64: 512>}]} {
    %get3A = arith.constant 0 : index
    %get3A_0 = arith.constant 0 : index
    %get3A_1 = vector.load %arg1[%get3A, %get3A_0] : memref<512x192xf32, #tpu.memory_space<vmem>>, vector<512x192xf32>
    %get3A_2 = arith.constant 0 : index
    %get3A_3 = vector.load %arg2[%get3A_2] : memref<512xf32, #tpu.memory_space<vmem>>, vector<512xf32>
    %broadcast_in_dim3A = vector.shape_cast %get3A_3 : vector<512xf32> to vector<512x1xf32>
    %get3A_4 = arith.constant 0 : index
    %get3A_5 = arith.constant 0 : index
    %get3A_6 = vector.load %arg3[%get3A_4, %get3A_5] : memref<16384x192xf32, #tpu.memory_space<vmem>>, vector<5504x192xf32>
    %dot_general3A = arith.constant dense<0.000000e+00> : vector<512x5504xf32>
    %dot_general3A_7 = tpu.matmul %get3A_1, %get3A_6, %dot_general3A {dimension_numbers = #tpu.dot_dimension_numbers<[1], [1], [0], [0], [0, 0, 1, 0], [], []>, transpose_lhs_hint = false} : vector<512x192xf32>, vector<5504x192xf32>, vector<512x5504xf32> -> vector<512x5504xf32>
    %mul3A = arith.constant 2.000000e+00 : f32
    %mul3A_8 = vector.broadcast %mul3A : f32 to vector<512x5504xf32>
    %mul3A_9 = arith.mulf %mul3A_8, %dot_general3A_7 : vector<512x5504xf32>
    %sub3A = vector.broadcast %broadcast_in_dim3A : vector<512x1xf32> to vector<512x5504xf32>
    %sub3A_10 = arith.subf %sub3A, %mul3A_9 : vector<512x5504xf32>
    %get3A_11 = arith.constant 0 : index
    %get3A_12 = vector.load %arg4[%get3A_11] : memref<16384xf32, #tpu.memory_space<vmem>>, vector<5504xf32>
    %broadcast_in_dim3A_13 = vector.shape_cast %get3A_12 : vector<5504xf32> to vector<1x5504xf32>
    %add3A = vector.broadcast %broadcast_in_dim3A_13 : vector<1x5504xf32> to vector<512x5504xf32>
    %add3A_14 = arith.addf %sub3A_10, %add3A : vector<512x5504xf32>
    %reduce_min3A = arith.constant dense<0x7F800000> : vector<512xf32>
    %reduce_min3A_15 = vector.multi_reduction <minimumf>, %add3A_14, %reduce_min3A [1] : vector<512x5504xf32> to vector<512xf32>
    %iota3A = tpu.iota {dimensions = array<i32: 1>} : vector<512x5504xi32>
    %broadcast_in_dim3A_16 = vector.shape_cast %reduce_min3A_15 : vector<512xf32> to vector<512x1xf32>
    %eq3A = vector.broadcast %broadcast_in_dim3A_16 : vector<512x1xf32> to vector<512x5504xf32>
    %eq3A_17 = arith.cmpf oeq, %add3A_14, %eq3A : vector<512x5504xf32>
    %jit3A = arith.constant 16384 : i32
    %broadcast_in_dim3A_18 = vector.broadcast %jit3A : i32 to vector<512x5504xi32>
    %select_n3A = arith.select %eq3A_17, %iota3A, %broadcast_in_dim3A_18 : vector<512x5504xi1>, vector<512x5504xi32>
    %reduce_min3A_19 = arith.constant dense<2147483647> : vector<512xi32>
    %reduce_min3A_20 = vector.multi_reduction <minsi>, %select_n3A, %reduce_min3A_19 [1] : vector<512x5504xi32> to vector<512xi32>
    %add3A_21 = arith.constant 0 : i32
    %add3A_22 = vector.broadcast %add3A_21 : i32 to vector<512xi32>
    %add3A_23 = arith.addi %reduce_min3A_20, %add3A_22 : vector<512xi32>
    %convert_element_type3A = arith.truncf %reduce_min3A_15 : vector<512xf32> to vector<512xbf16>
    %convert_element_type3A_24 = arith.extf %convert_element_type3A : vector<512xbf16> to vector<512xf32>
    %get3A_25 = arith.constant 5504 : index
    %get3A_26 = arith.constant 0 : index
    %get3A_27 = vector.load %arg3[%get3A_25, %get3A_26] : memref<16384x192xf32, #tpu.memory_space<vmem>>, vector<5504x192xf32>
    %dot_general3A_28 = arith.constant dense<0.000000e+00> : vector<512x5504xf32>
    %dot_general3A_29 = tpu.matmul %get3A_1, %get3A_27, %dot_general3A_28 {dimension_numbers = #tpu.dot_dimension_numbers<[1], [1], [0], [0], [0, 0, 1, 0], [], []>, transpose_lhs_hint = false} : vector<512x192xf32>, vector<5504x192xf32>, vector<512x5504xf32> -> vector<512x5504xf32>
    %mul3A_30 = arith.constant 2.000000e+00 : f32
    %mul3A_31 = vector.broadcast %mul3A_30 : f32 to vector<512x5504xf32>
    %mul3A_32 = arith.mulf %mul3A_31, %dot_general3A_29 : vector<512x5504xf32>
    %sub3A_33 = vector.broadcast %broadcast_in_dim3A : vector<512x1xf32> to vector<512x5504xf32>
    %sub3A_34 = arith.subf %sub3A_33, %mul3A_32 : vector<512x5504xf32>
    %get3A_35 = arith.constant 5504 : index
    %get3A_36 = vector.load %arg4[%get3A_35] : memref<16384xf32, #tpu.memory_space<vmem>>, vector<5504xf32>
    %broadcast_in_dim3A_37 = vector.shape_cast %get3A_36 : vector<5504xf32> to vector<1x5504xf32>
    %add3A_38 = vector.broadcast %broadcast_in_dim3A_37 : vector<1x5504xf32> to vector<512x5504xf32>
    %add3A_39 = arith.addf %sub3A_34, %add3A_38 : vector<512x5504xf32>
    %reduce_min3A_40 = arith.constant dense<0x7F800000> : vector<512xf32>
    %reduce_min3A_41 = vector.multi_reduction <minimumf>, %add3A_39, %reduce_min3A_40 [1] : vector<512x5504xf32> to vector<512xf32>
    %iota3A_42 = tpu.iota {dimensions = array<i32: 1>} : vector<512x5504xi32>
    %broadcast_in_dim3A_43 = vector.shape_cast %reduce_min3A_41 : vector<512xf32> to vector<512x1xf32>
    %eq3A_44 = vector.broadcast %broadcast_in_dim3A_43 : vector<512x1xf32> to vector<512x5504xf32>
    %eq3A_45 = arith.cmpf oeq, %add3A_39, %eq3A_44 : vector<512x5504xf32>
    %jit3A_46 = arith.constant 16384 : i32
    %broadcast_in_dim3A_47 = vector.broadcast %jit3A_46 : i32 to vector<512x5504xi32>
    %select_n3A_48 = arith.select %eq3A_45, %iota3A_42, %broadcast_in_dim3A_47 : vector<512x5504xi1>, vector<512x5504xi32>
    %reduce_min3A_49 = arith.constant dense<2147483647> : vector<512xi32>
    %reduce_min3A_50 = vector.multi_reduction <minsi>, %select_n3A_48, %reduce_min3A_49 [1] : vector<512x5504xi32> to vector<512xi32>
    %add3A_51 = arith.constant 5504 : i32
    %add3A_52 = vector.broadcast %add3A_51 : i32 to vector<512xi32>
    %add3A_53 = arith.addi %reduce_min3A_50, %add3A_52 : vector<512xi32>
    %lt3A = arith.cmpf olt, %reduce_min3A_41, %convert_element_type3A_24 : vector<512xf32>
    %select_n3A_54 = arith.select %lt3A, %reduce_min3A_41, %convert_element_type3A_24 : vector<512xi1>, vector<512xf32>
    %select_n3A_55 = arith.select %lt3A, %add3A_53, %add3A_23 : vector<512xi1>, vector<512xi32>
    %convert_element_type3A_56 = arith.truncf %select_n3A_54 : vector<512xf32> to vector<512xbf16>
    %convert_element_type3A_57 = arith.extf %convert_element_type3A_56 : vector<512xbf16> to vector<512xf32>
    %get3A_58 = arith.constant 11008 : index
    %get3A_59 = arith.constant 0 : index
    %get3A_60 = vector.load %arg3[%get3A_58, %get3A_59] : memref<16384x192xf32, #tpu.memory_space<vmem>>, vector<5376x192xf32>
    %dot_general3A_61 = arith.constant dense<0.000000e+00> : vector<512x5376xf32>
    %dot_general3A_62 = tpu.matmul %get3A_1, %get3A_60, %dot_general3A_61 {dimension_numbers = #tpu.dot_dimension_numbers<[1], [1], [0], [0], [0, 0, 1, 0], [], []>, transpose_lhs_hint = false} : vector<512x192xf32>, vector<5376x192xf32>, vector<512x5376xf32> -> vector<512x5376xf32>
    %mul3A_63 = arith.constant 2.000000e+00 : f32
    %mul3A_64 = vector.broadcast %mul3A_63 : f32 to vector<512x5376xf32>
    %mul3A_65 = arith.mulf %mul3A_64, %dot_general3A_62 : vector<512x5376xf32>
    %sub3A_66 = vector.broadcast %broadcast_in_dim3A : vector<512x1xf32> to vector<512x5376xf32>
    %sub3A_67 = arith.subf %sub3A_66, %mul3A_65 : vector<512x5376xf32>
    %get3A_68 = arith.constant 11008 : index
    %get3A_69 = vector.load %arg4[%get3A_68] : memref<16384xf32, #tpu.memory_space<vmem>>, vector<5376xf32>
    %broadcast_in_dim3A_70 = vector.shape_cast %get3A_69 : vector<5376xf32> to vector<1x5376xf32>
    %add3A_71 = vector.broadcast %broadcast_in_dim3A_70 : vector<1x5376xf32> to vector<512x5376xf32>
    %add3A_72 = arith.addf %sub3A_67, %add3A_71 : vector<512x5376xf32>
    %reduce_min3A_73 = arith.constant dense<0x7F800000> : vector<512xf32>
    %reduce_min3A_74 = vector.multi_reduction <minimumf>, %add3A_72, %reduce_min3A_73 [1] : vector<512x5376xf32> to vector<512xf32>
    %iota3A_75 = tpu.iota {dimensions = array<i32: 1>} : vector<512x5376xi32>
    %broadcast_in_dim3A_76 = vector.shape_cast %reduce_min3A_74 : vector<512xf32> to vector<512x1xf32>
    %eq3A_77 = vector.broadcast %broadcast_in_dim3A_76 : vector<512x1xf32> to vector<512x5376xf32>
    %eq3A_78 = arith.cmpf oeq, %add3A_72, %eq3A_77 : vector<512x5376xf32>
    %jit3A_79 = arith.constant 16384 : i32
    %broadcast_in_dim3A_80 = vector.broadcast %jit3A_79 : i32 to vector<512x5376xi32>
    %select_n3A_81 = arith.select %eq3A_78, %iota3A_75, %broadcast_in_dim3A_80 : vector<512x5376xi1>, vector<512x5376xi32>
    %reduce_min3A_82 = arith.constant dense<2147483647> : vector<512xi32>
    %reduce_min3A_83 = vector.multi_reduction <minsi>, %select_n3A_81, %reduce_min3A_82 [1] : vector<512x5376xi32> to vector<512xi32>
    %add3A_84 = arith.constant 11008 : i32
    %add3A_85 = vector.broadcast %add3A_84 : i32 to vector<512xi32>
    %add3A_86 = arith.addi %reduce_min3A_83, %add3A_85 : vector<512xi32>
    %lt3A_87 = arith.cmpf olt, %reduce_min3A_74, %convert_element_type3A_57 : vector<512xf32>
    %select_n3A_88 = arith.select %lt3A_87, %add3A_86, %select_n3A_55 : vector<512xi1>, vector<512xi32>
    %swap3A = arith.constant 0 : index
    %swap3A_89 = vector.load %arg5[%swap3A] : memref<512xi32, #tpu.memory_space<vmem>>, vector<512xi32>
    tpu.vector_store %arg5[%swap3A], %select_n3A_88 {strides = array<i32>} : memref<512xi32, #tpu.memory_space<vmem>>, vector<512xi32>,
    return
  }
  func.func @transform_0(%arg0: i32) -> (i32, i32) {
    %c0_i32 = arith.constant 0 : i32
    %c0_i32_0 = arith.constant 0 : i32
    return %arg0, %c0_i32 : i32, i32
  }
  func.func @transform_1(%arg0: i32) -> i32 {
    %c0_i32 = arith.constant 0 : i32
    return %arg0 : i32
  }
  func.func @transform_2(%arg0: i32) -> (i32, i32) {
    %c0_i32 = arith.constant 0 : i32
    %c0_i32_0 = arith.constant 0 : i32
    %c0_i32_1 = arith.constant 0 : i32
    return %c0_i32, %c0_i32_0 : i32, i32
  }
  func.func @transform_3(%arg0: i32) -> i32 {
    %c0_i32 = arith.constant 0 : i32
    %c0_i32_0 = arith.constant 0 : i32
    return %c0_i32 : i32
  }
  func.func @transform_4(%arg0: i32) -> i32 {
    %c0_i32 = arith.constant 0 : i32
    return %arg0 : i32
  }
}

module attributes {stable_mosaic.version = 14 : i64} {
  func.func @_score_body(%arg0: i32, %arg1: memref<512x192xf32, #tpu.memory_space<vmem>>, %arg2: memref<512xf32, #tpu.memory_space<vmem>>, %arg3: memref<16384x192xf32, #tpu.memory_space<vmem>>, %arg4: memref<16384xf32, #tpu.memory_space<vmem>>, %arg5: memref<512xi32, #tpu.memory_space<vmem>>) attributes {dimension_semantics = [#tpu.dimension_semantics<arbitrary>], iteration_bounds = array<i64: 16>, scalar_prefetch = 0 : i64, scratch_operands = 0 : i64, tpu.core_type = #tpu.core_type<tc>, window_params = [{transform_indices = @transform_0, window_bounds = array<i64: 512, 192>}, {transform_indices = @transform_1, window_bounds = array<i64: 512>}, {pipeline_mode = #tpu.pipeline_mode<synchronous>, transform_indices = @transform_2, window_bounds = array<i64: 16384, 192>}, {pipeline_mode = #tpu.pipeline_mode<synchronous>, transform_indices = @transform_3, window_bounds = array<i64: 16384>}, {transform_indices = @transform_4, window_bounds = array<i64: 512>}]} {
    %get3A = arith.constant 0 : index
    %get3A_0 = arith.constant 0 : index
    %get3A_1 = vector.load %arg1[%get3A, %get3A_0] : memref<512x192xf32, #tpu.memory_space<vmem>>, vector<512x192xf32>
    %get3A_2 = arith.constant 0 : index
    %get3A_3 = vector.load %arg2[%get3A_2] : memref<512xf32, #tpu.memory_space<vmem>>, vector<512xf32>
    %broadcast_in_dim3A = vector.shape_cast %get3A_3 : vector<512xf32> to vector<512x1xf32>
    %get3A_4 = arith.constant 0 : index
    %get3A_5 = arith.constant 0 : index
    %get3A_6 = vector.load %arg3[%get3A_4, %get3A_5] : memref<16384x192xf32, #tpu.memory_space<vmem>>, vector<5504x192xf32>
    %dot_general3A = arith.constant dense<0.000000e+00> : vector<512x5504xf32>
    %dot_general3A_7 = tpu.matmul %get3A_1, %get3A_6, %dot_general3A {dimension_numbers = #tpu.dot_dimension_numbers<[1], [1], [0], [0], [0, 0, 1, 0], [], []>, transpose_lhs_hint = false} : vector<512x192xf32>, vector<5504x192xf32>, vector<512x5504xf32> -> vector<512x5504xf32>
    %mul3A = arith.constant 2.000000e+00 : f32
    %mul3A_8 = vector.broadcast %mul3A : f32 to vector<512x5504xf32>
    %mul3A_9 = arith.mulf %mul3A_8, %dot_general3A_7 : vector<512x5504xf32>
    %sub3A = vector.broadcast %broadcast_in_dim3A : vector<512x1xf32> to vector<512x5504xf32>
    %sub3A_10 = arith.subf %sub3A, %mul3A_9 : vector<512x5504xf32>
    %get3A_11 = arith.constant 0 : index
    %get3A_12 = vector.load %arg4[%get3A_11] : memref<16384xf32, #tpu.memory_space<vmem>>, vector<5504xf32>
    %broadcast_in_dim3A_13 = vector.shape_cast %get3A_12 : vector<5504xf32> to vector<1x5504xf32>
    %add3A = vector.broadcast %broadcast_in_dim3A_13 : vector<1x5504xf32> to vector<512x5504xf32>
    %add3A_14 = arith.addf %sub3A_10, %add3A : vector<512x5504xf32>
    %reduce_min3A = arith.constant dense<0x7F800000> : vector<512xf32>
    %reduce_min3A_15 = vector.multi_reduction <minimumf>, %add3A_14, %reduce_min3A [1] : vector<512x5504xf32> to vector<512xf32>
    %iota3A = tpu.iota {dimensions = array<i32: 1>} : vector<512x5504xi32>
    %broadcast_in_dim3A_16 = vector.shape_cast %reduce_min3A_15 : vector<512xf32> to vector<512x1xf32>
    %eq3A = vector.broadcast %broadcast_in_dim3A_16 : vector<512x1xf32> to vector<512x5504xf32>
    %eq3A_17 = arith.cmpf oeq, %add3A_14, %eq3A : vector<512x5504xf32>
    %jit3A = arith.constant 16384 : i32
    %broadcast_in_dim3A_18 = vector.broadcast %jit3A : i32 to vector<512x5504xi32>
    %select_n3A = arith.select %eq3A_17, %iota3A, %broadcast_in_dim3A_18 : vector<512x5504xi1>, vector<512x5504xi32>
    %reduce_min3A_19 = arith.constant dense<2147483647> : vector<512xi32>
    %reduce_min3A_20 = vector.multi_reduction <minsi>, %select_n3A, %reduce_min3A_19 [1] : vector<512x5504xi32> to vector<512xi32>
    %add3A_21 = arith.constant 0 : i32
    %add3A_22 = vector.broadcast %add3A_21 : i32 to vector<512xi32>
    %add3A_23 = arith.addi %reduce_min3A_20, %add3A_22 : vector<512xi32>
    %get3A_24 = arith.constant 5504 : index
    %get3A_25 = arith.constant 0 : index
    %get3A_26 = vector.load %arg3[%get3A_24, %get3A_25] : memref<16384x192xf32, #tpu.memory_space<vmem>>, vector<5504x192xf32>
    %dot_general3A_27 = arith.constant dense<0.000000e+00> : vector<512x5504xf32>
    %dot_general3A_28 = tpu.matmul %get3A_1, %get3A_26, %dot_general3A_27 {dimension_numbers = #tpu.dot_dimension_numbers<[1], [1], [0], [0], [0, 0, 1, 0], [], []>, transpose_lhs_hint = false} : vector<512x192xf32>, vector<5504x192xf32>, vector<512x5504xf32> -> vector<512x5504xf32>
    %mul3A_29 = arith.constant 2.000000e+00 : f32
    %mul3A_30 = vector.broadcast %mul3A_29 : f32 to vector<512x5504xf32>
    %mul3A_31 = arith.mulf %mul3A_30, %dot_general3A_28 : vector<512x5504xf32>
    %sub3A_32 = vector.broadcast %broadcast_in_dim3A : vector<512x1xf32> to vector<512x5504xf32>
    %sub3A_33 = arith.subf %sub3A_32, %mul3A_31 : vector<512x5504xf32>
    %get3A_34 = arith.constant 5504 : index
    %get3A_35 = vector.load %arg4[%get3A_34] : memref<16384xf32, #tpu.memory_space<vmem>>, vector<5504xf32>
    %broadcast_in_dim3A_36 = vector.shape_cast %get3A_35 : vector<5504xf32> to vector<1x5504xf32>
    %add3A_37 = vector.broadcast %broadcast_in_dim3A_36 : vector<1x5504xf32> to vector<512x5504xf32>
    %add3A_38 = arith.addf %sub3A_33, %add3A_37 : vector<512x5504xf32>
    %reduce_min3A_39 = arith.constant dense<0x7F800000> : vector<512xf32>
    %reduce_min3A_40 = vector.multi_reduction <minimumf>, %add3A_38, %reduce_min3A_39 [1] : vector<512x5504xf32> to vector<512xf32>
    %iota3A_41 = tpu.iota {dimensions = array<i32: 1>} : vector<512x5504xi32>
    %broadcast_in_dim3A_42 = vector.shape_cast %reduce_min3A_40 : vector<512xf32> to vector<512x1xf32>
    %eq3A_43 = vector.broadcast %broadcast_in_dim3A_42 : vector<512x1xf32> to vector<512x5504xf32>
    %eq3A_44 = arith.cmpf oeq, %add3A_38, %eq3A_43 : vector<512x5504xf32>
    %jit3A_45 = arith.constant 16384 : i32
    %broadcast_in_dim3A_46 = vector.broadcast %jit3A_45 : i32 to vector<512x5504xi32>
    %select_n3A_47 = arith.select %eq3A_44, %iota3A_41, %broadcast_in_dim3A_46 : vector<512x5504xi1>, vector<512x5504xi32>
    %reduce_min3A_48 = arith.constant dense<2147483647> : vector<512xi32>
    %reduce_min3A_49 = vector.multi_reduction <minsi>, %select_n3A_47, %reduce_min3A_48 [1] : vector<512x5504xi32> to vector<512xi32>
    %add3A_50 = arith.constant 5504 : i32
    %add3A_51 = vector.broadcast %add3A_50 : i32 to vector<512xi32>
    %add3A_52 = arith.addi %reduce_min3A_49, %add3A_51 : vector<512xi32>
    %lt3A = arith.cmpf olt, %reduce_min3A_40, %reduce_min3A_15 : vector<512xf32>
    %select_n3A_53 = arith.select %lt3A, %reduce_min3A_40, %reduce_min3A_15 : vector<512xi1>, vector<512xf32>
    %select_n3A_54 = arith.select %lt3A, %add3A_52, %add3A_23 : vector<512xi1>, vector<512xi32>
    %get3A_55 = arith.constant 11008 : index
    %get3A_56 = arith.constant 0 : index
    %get3A_57 = vector.load %arg3[%get3A_55, %get3A_56] : memref<16384x192xf32, #tpu.memory_space<vmem>>, vector<5376x192xf32>
    %dot_general3A_58 = arith.constant dense<0.000000e+00> : vector<512x5376xf32>
    %dot_general3A_59 = tpu.matmul %get3A_1, %get3A_57, %dot_general3A_58 {dimension_numbers = #tpu.dot_dimension_numbers<[1], [1], [0], [0], [0, 0, 1, 0], [], []>, transpose_lhs_hint = false} : vector<512x192xf32>, vector<5376x192xf32>, vector<512x5376xf32> -> vector<512x5376xf32>
    %mul3A_60 = arith.constant 2.000000e+00 : f32
    %mul3A_61 = vector.broadcast %mul3A_60 : f32 to vector<512x5376xf32>
    %mul3A_62 = arith.mulf %mul3A_61, %dot_general3A_59 : vector<512x5376xf32>
    %sub3A_63 = vector.broadcast %broadcast_in_dim3A : vector<512x1xf32> to vector<512x5376xf32>
    %sub3A_64 = arith.subf %sub3A_63, %mul3A_62 : vector<512x5376xf32>
    %get3A_65 = arith.constant 11008 : index
    %get3A_66 = vector.load %arg4[%get3A_65] : memref<16384xf32, #tpu.memory_space<vmem>>, vector<5376xf32>
    %broadcast_in_dim3A_67 = vector.shape_cast %get3A_66 : vector<5376xf32> to vector<1x5376xf32>
    %add3A_68 = vector.broadcast %broadcast_in_dim3A_67 : vector<1x5376xf32> to vector<512x5376xf32>
    %add3A_69 = arith.addf %sub3A_64, %add3A_68 : vector<512x5376xf32>
    %reduce_min3A_70 = arith.constant dense<0x7F800000> : vector<512xf32>
    %reduce_min3A_71 = vector.multi_reduction <minimumf>, %add3A_69, %reduce_min3A_70 [1] : vector<512x5376xf32> to vector<512xf32>
    %iota3A_72 = tpu.iota {dimensions = array<i32: 1>} : vector<512x5376xi32>
    %broadcast_in_dim3A_73 = vector.shape_cast %reduce_min3A_71 : vector<512xf32> to vector<512x1xf32>
    %eq3A_74 = vector.broadcast %broadcast_in_dim3A_73 : vector<512x1xf32> to vector<512x5376xf32>
    %eq3A_75 = arith.cmpf oeq, %add3A_69, %eq3A_74 : vector<512x5376xf32>
    %jit3A_76 = arith.constant 16384 : i32
    %broadcast_in_dim3A_77 = vector.broadcast %jit3A_76 : i32 to vector<512x5376xi32>
    %select_n3A_78 = arith.select %eq3A_75, %iota3A_72, %broadcast_in_dim3A_77 : vector<512x5376xi1>, vector<512x5376xi32>
    %reduce_min3A_79 = arith.constant dense<2147483647> : vector<512xi32>
    %reduce_min3A_80 = vector.multi_reduction <minsi>, %select_n3A_78, %reduce_min3A_79 [1] : vector<512x5376xi32> to vector<512xi32>
    %add3A_81 = arith.constant 11008 : i32
    %add3A_82 = vector.broadcast %add3A_81 : i32 to vector<512xi32>
    %add3A_83 = arith.addi %reduce_min3A_80, %add3A_82 : vector<512xi32>
    %lt3A_84 = arith.cmpf olt, %reduce_min3A_71, %select_n3A_53 : vector<512xf32>
    %select_n3A_85 = arith.select %lt3A_84, %add3A_83, %select_n3A_54 : vector<512xi1>, vector<512xi32>
    %swap3A = arith.constant 0 : index
    %swap3A_86 = vector.load %arg5[%swap3A] : memref<512xi32, #tpu.memory_space<vmem>>, vector<512xi32>
    tpu.vector_store %arg5[%swap3A], %select_n3A_85 {strides = array<i32>} : memref<512xi32, #tpu.memory_space<vmem>>, vector<512xi32>,
    return
  }
  func.func @transform_0(%arg0: i32) -> (i32, i32) {
    %c0_i32 = arith.constant 0 : i32
    %c0_i32_0 = arith.constant 0 : i32
    return %arg0, %c0_i32 : i32, i32
  }
  func.func @transform_1(%arg0: i32) -> i32 {
    %c0_i32 = arith.constant 0 : i32
    return %arg0 : i32
  }
  func.func @transform_2(%arg0: i32) -> (i32, i32) {
    %c0_i32 = arith.constant 0 : i32
    %c0_i32_0 = arith.constant 0 : i32
    %c0_i32_1 = arith.constant 0 : i32
    return %c0_i32, %c0_i32_0 : i32, i32
  }
  func.func @transform_3(%arg0: i32) -> i32 {
    %c0_i32 = arith.constant 0 : i32
    %c0_i32_0 = arith.constant 0 : i32
    return %c0_i32 : i32
  }
  func.func @transform_4(%arg0: i32) -> i32 {
    %c0_i32 = arith.constant 0 : i32
    return %arg0 : i32
  }
}

module attributes {stable_mosaic.version = 14 : i64} {
  func.func @_combine_body(%arg0: i32, %arg1: memref<512x192xf32, #tpu.memory_space<vmem>>, %arg2: memref<512x192xf32, #tpu.memory_space<vmem>>, %arg3: memref<512x192xf32, #tpu.memory_space<vmem>>, %arg4: memref<512x192xf32, #tpu.memory_space<vmem>>, %arg5: memref<1x1xf32, #tpu.memory_space<vmem>>) attributes {dimension_semantics = [#tpu.dimension_semantics<arbitrary>], iteration_bounds = array<i64: 16>, scalar_prefetch = 0 : i64, scratch_operands = 0 : i64, tpu.core_type = #tpu.core_type<tc>, window_params = [{transform_indices = @transform_0, window_bounds = array<i64: 512, 192>}, {transform_indices = @transform_1, window_bounds = array<i64: 512, 192>}, {transform_indices = @transform_2, window_bounds = array<i64: 512, 192>}, {transform_indices = @transform_3, window_bounds = array<i64: 512, 192>}, {pipeline_mode = #tpu.pipeline_mode<synchronous>, transform_indices = @transform_4, window_bounds = array<i64: 1, 1>}]} {
    %get3A = arith.constant 0 : index
    %get3A_0 = arith.constant 0 : index
    %get3A_1 = vector.load %arg1[%get3A, %get3A_0] : memref<512x192xf32, #tpu.memory_space<vmem>>, vector<512x192xf32>
    %get3A_2 = arith.constant 0 : index
    %get3A_3 = arith.constant 0 : index
    %get3A_4 = vector.load %arg2[%get3A_2, %get3A_3] : memref<512x192xf32, #tpu.memory_space<vmem>>, vector<512x192xf32>
    %get3A_5 = arith.constant 0 : index
    %get3A_6 = arith.constant 0 : index
    %get3A_7 = vector.load %arg3[%get3A_5, %get3A_6] : memref<512x192xf32, #tpu.memory_space<vmem>>, vector<512x192xf32>
    %add3A = arith.addf %get3A_4, %get3A_7 : vector<512x192xf32>
    %sub3A = arith.subf %add3A, %get3A_1 : vector<512x192xf32>
    %add3A_8 = arith.addf %get3A_1, %sub3A : vector<512x192xf32>
    %swap3A = arith.constant 0 : index
    %swap3A_9 = arith.constant 0 : index
    %swap3A_10 = vector.load %arg4[%swap3A, %swap3A_9] : memref<512x192xf32, #tpu.memory_space<vmem>>, vector<512x192xf32>
    tpu.vector_store %arg4[%swap3A, %swap3A_9], %add3A_8 {strides = array<i32>} : memref<512x192xf32, #tpu.memory_space<vmem>>, vector<512x192xf32>,
    %sub3A_11 = arith.subf %get3A_1, %add3A : vector<512x192xf32>
    %mul3A = arith.mulf %sub3A_11, %sub3A_11 : vector<512x192xf32>
    %reduce_sum3A = vector.shape_cast %mul3A : vector<512x192xf32> to vector<1x512x192xf32>
    %reduce_sum3A_12 = arith.constant dense<0.000000e+00> : vector<1xf32>
    %reduce_sum3A_13 = vector.multi_reduction <add>, %reduce_sum3A, %reduce_sum3A_12 [1, 2] : vector<1x512x192xf32> to vector<1xf32>
    %reduce_sum3A_14 = vector.shape_cast %reduce_sum3A_13 : vector<1xf32> to vector<1x1x1xf32>
    %reduce_sum3A_15 = vector.extract %reduce_sum3A_14[0, 0, 0] : f32 from vector<1x1x1xf32>
    %eq3A = arith.constant 0 : i32
    %eq3A_16 = arith.cmpi eq, %arg0, %eq3A : i32
    %get3A_17 = arith.constant 0 : index
    %get3A_18 = arith.constant 0 : index
    %get3A_19 = vector.load %arg5[%get3A_17, %get3A_18] : memref<1x1xf32, #tpu.memory_space<vmem>>, vector<1x1xf32>
    %jit3A = arith.constant 0.000000e+00 : f32
    %broadcast_in_dim3A = vector.broadcast %jit3A : f32 to vector<1x1xf32>
    %select_n3A = arith.select %eq3A_16, %broadcast_in_dim3A, %get3A_19 : vector<1x1xf32>
    %add3A_20 = vector.broadcast %reduce_sum3A_15 : f32 to vector<1x1xf32>
    %add3A_21 = arith.addf %select_n3A, %add3A_20 : vector<1x1xf32>
    %eq3A_22 = arith.constant 15 : i32
    %eq3A_23 = arith.cmpi eq, %arg0, %eq3A_22 : i32
    %div3A = arith.constant 0x49C00000 : f32
    %div3A_24 = vector.broadcast %div3A : f32 to vector<1x1xf32>
    %div3A_25 = arith.divf %add3A_21, %div3A_24 : vector<1x1xf32>
    %select_n3A_26 = arith.select %eq3A_23, %div3A_25, %add3A_21 : vector<1x1xf32>
    %swap3A_27 = arith.constant 0 : index
    %swap3A_28 = arith.constant 0 : index
    %swap3A_29 = vector.load %arg5[%swap3A_27, %swap3A_28] : memref<1x1xf32, #tpu.memory_space<vmem>>, vector<1x1xf32>
    tpu.vector_store %arg5[%swap3A_27, %swap3A_28], %select_n3A_26 {strides = array<i32>} : memref<1x1xf32, #tpu.memory_space<vmem>>, vector<1x1xf32>,
    return
  }
  func.func @transform_0(%arg0: i32) -> (i32, i32) {
    %c0_i32 = arith.constant 0 : i32
    %c0_i32_0 = arith.constant 0 : i32
    return %arg0, %c0_i32 : i32, i32
  }
  func.func @transform_1(%arg0: i32) -> (i32, i32) {
    %c0_i32 = arith.constant 0 : i32
    %c0_i32_0 = arith.constant 0 : i32
    return %arg0, %c0_i32 : i32, i32
  }
  func.func @transform_2(%arg0: i32) -> (i32, i32) {
    %c0_i32 = arith.constant 0 : i32
    %c0_i32_0 = arith.constant 0 : i32
    return %arg0, %c0_i32 : i32, i32
  }
  func.func @transform_3(%arg0: i32) -> (i32, i32) {
    %c0_i32 = arith.constant 0 : i32
    %c0_i32_0 = arith.constant 0 : i32
    return %arg0, %c0_i32 : i32, i32
  }
  func.func @transform_4(%arg0: i32) -> (i32, i32) {
    %c0_i32 = arith.constant 0 : i32
    %c0_i32_0 = arith.constant 0 : i32
    %c0_i32_1 = arith.constant 0 : i32
    return %c0_i32, %c0_i32_0 : i32, i32
  }
}

</mosaic_0001>

<sc_bundles>
// kernel: kernel.11.cloned.1.call-start
scs
__scs_entry_jumppad:
0x0: {  	(pc) =	sbr.rel $0x88, $3  }
0x1: {  	(tag) =	ssettag $0x0;
	lr =	simm.s32 $0x1  }
0x2: {  	[smem:$0x3F92] =	sst lr;
	_ =	strace $0xD0000000  }
0x3: {  	_ = 	snop  }
0x4: {  	_ = 	snop  }
0x5: {  	_ = 	snop  }
0x6: {  	_ = 	snop  }
0x7: {  	_ = 	snop  }
__scs_overlays_trampoline_lowered:
0x8: {  	[smem:$0x3FA1] =	sst s0  }
0x9: {  	[smem:$0x3FA2] =	sst s1  }
0xa: {  	[smem:$0x3FA3] =	sst s2  }
0xb: {  	[smem:$0x3FA4] =	sst s3  }
0xc: {  	[smem:$0x3FA5] =	sst s4  }
0xd: {  	[smem:$0x3FA6] =	sst s5  }
0xe: {  	[smem:$0x3FA7] =	sst s6  }
0xf: {  	[smem:$0x3FA8] =	sst s7  }
0x10: {  	[smem:$0x3FA9] =	sst s8  }
0x11: {  	[smem:$0x3FAA] =	sst s9;
	s0 =	simm.s32 @!p0 $0x0  }
0x12: {  	s1 =	sld [smem:$0x3F90];
	s0 =	simm.s32 @p0 $0x1  }
0x13: {  	[smem:$0x3FAB] =	sst s0;
	s0 =	simm.s32 @!p1 $0x0  }
0x14: {  	s2 =	sld [smem:$0x3F8F];
	s0 =	simm.s32 @p1 $0x1  }
0x15: {  	[smem:$0x3FAC] =	sst s0;
	s0 =	simm.s32 @!p2 $0x0  }
0x16: {  	s3 =	sld [smem:$0x3FDB];
	s0 =	simm.s32 @p2 $0x1  }
0x17: {  	s4 =	simm.s32 $0x1BF5;
	[smem:$0x3FAE] =	sst s0  }
0x18: {  	s0 =	sld [smem:$0x3F91];
	_ =	swait.ge [sflag:s4], $0x0  }
0x19: {  	s7 =	sld [smem:$0x3F92]  }
0x1a: {  	s8 =	sadd.s32 $0xFFFFE003, lr  }
0x1b: {  	s9 =	sadd.s32 $0xFFFFFEF7, lr;
	s5 =	simm.s32 $0xFFFFFFFF;
	p2 =	slt.u32 s8, $0xFFFFF086  }
0x1c: {  	p1 =	slt.u32 s9, $0xF7A;
	s5 =	simm.s32 @!p2 $0x0  }
0x1d: {  	s5 =	simm.s32 @p1 $0x1;
	p0 =	seq.s32 s7, s2  }
0x1e: {  	s7 =	smul.u32 @!p0 $0xF7A, s2;
	p2 =	seq.s32 @!p0 s5, $0x0  }
0x1f: {  	s9 =	smul.u32 $0xF7A, s1;
	s8 =	simm.s32 @!p0 $0x1BF5;
	p2 =	por !p2, p0  }
0x20: {  	[sflag:s8] =	ssyncset.s32 @!p0 $0xFFFFF086;
	s6 =	sadd.s32 @!p0 s3, s7;
	s7 =	simm.s32 @!p0 $0x108  }
0x21: {  	s3 =	sadd.s32 s3, s9;
	s6 =	sadd.s32 @!p0 $0x88, s6;
	s7 =	simm.s32 @p2 $0x1082  }
0x22: {  	[simem:s7], [sflag:s8] =	dma.local @!p0 [hbm:s6], $0xF7A  }
0x23: {  	s9 =	sor.u32 $0xD0000000, s2;
	s6 =	simm.s32 $0x108;
	_ =	swait.ge @!p0 [sflag:s8], $0x0  }
0x24: {  	s3 =	sadd.s32 $0x88, s3;
	s6 =	simm.s32 @!p1 $0x1082;
	[sflag:s4] =	ssyncset.s32 $0xFFFFF086  }
0x25: {  	[simem:s6], [sflag:s4] =	dma.local [hbm:s3], $0xF7A  }
0x26: {  	[smem:$0x3F92] =	sst s1;
	(tag) =	ssettag s2;
	_ =	strace s9  }
0x27: {  	s1 =	sld [smem:$0x3FA2]  }
0x28: {  	s2 =	sld [smem:$0x3FA3]  }
0x29: {  	s4 =	sld [smem:$0x3FA5]  }
0x2a: {  	p0 =	seq.s32 s5, $0x0;
	s5 =	sld [smem:$0x3FA6]  }
0x2b: {  	s6 =	sld [smem:$0x3FA7]  }
0x2c: {  	s7 =	sld [smem:$0x3FA8]  }
0x2d: {  	s3 =	simm.s32 $0x108;
	s8 =	sld [smem:$0x3FA9]  }
0x2e: {  	s3 =	simm.s32 @!p0 $0x1082;
	s9 =	sld [smem:$0x3FAA]  }
0x2f: {  	lr =	sadd.s32 s0, s3;
	s0 =	sld [smem:$0x3FA1]  }
0x30: {  	s3 =	sld [smem:$0x3FA4]  }
0x31: {  	[smem:$0x3FAD] =	sst s10  }
0x32: {  	s10 =	sld [smem:$0x3FAB];
	_ =	sdelay $0x3  }
0x33: {  	p0 =	seq.s32 s10, $0x1;
	s10 =	sld [smem:$0x3FAD];
	_ =	sdelay $0x3  }
0x34: {  	[smem:$0x3FAD] =	sst s10  }
0x35: {  	s10 =	sld [smem:$0x3FAC];
	_ =	sdelay $0x3  }
0x36: {  	p1 =	seq.s32 s10, $0x1;
	s10 =	sld [smem:$0x3FAD];
	_ =	sdelay $0x3  }
0x37: {  	[smem:$0x3FAD] =	sst s10  }
0x38: {  	s10 =	sld [smem:$0x3FAE]  }
0x39: {  	_ = 	snop;
	(pc) =	sbr.ind lr, $3  }
0x3a: {  	_ = 	snop  }
0x3b: {  	_ = 	snop  }
0x3c: {  	p2 =	seq.s32 s10, $0x1;
	s10 =	sld [smem:$0x3FAD]  }
0x3d: {  	_ =	shalt  }
0x3e: {  	_ =	shalt  }
0x3f: {  	_ =	shalt  }
0x40: {  	_ =	shalt  }
0x41: {  	_ =	shalt  }
0x42: {  	_ =	shalt  }
0x43: {  	_ =	shalt  }
0x44: {  	_ =	shalt  }
0x45: {  	_ =	shalt  }
0x46: {  	_ =	shalt  }
0x47: {  	_ =	shalt  }
0x48: {  	_ =	shalt  }
0x49: {  	_ =	shalt  }
0x4a: {  	_ =	shalt  }
0x4b: {  	_ =	shalt  }
0x4c: {  	_ =	shalt  }
0x4d: {  	_ =	shalt  }
0x4e: {  	_ =	shalt  }
0x4f: {  	_ =	shalt  }
0x50: {  	_ =	shalt  }
0x51: {  	_ =	shalt  }
0x52: {  	_ =	shalt  }
0x53: {  	_ =	shalt  }
0x54: {  	_ =	shalt  }
0x55: {  	_ =	shalt  }
0x56: {  	_ =	shalt  }
0x57: {  	_ =	shalt  }
0x58: {  	_ =	shalt  }
0x59: {  	_ =	shalt  }
0x5a: {  	_ =	shalt  }
0x5b: {  	_ =	shalt  }
0x5c: {  	_ =	shalt  }
0x5d: {  	_ =	shalt  }
0x5e: {  	_ =	shalt  }
0x5f: {  	_ =	shalt  }
0x60: {  	_ =	shalt  }
0x61: {  	_ =	shalt  }
0x62: {  	_ =	shalt  }
0x63: {  	_ =	shalt  }
0x64: {  	_ =	shalt  }
0x65: {  	_ =	shalt  }
0x66: {  	_ =	shalt  }
0x67: {  	_ =	shalt  }
0x68: {  	_ =	shalt  }
0x69: {  	_ =	shalt  }
0x6a: {  	_ =	shalt  }
0x6b: {  	_ =	shalt  }
0x6c: {  	_ =	shalt  }
0x6d: {  	_ =	shalt  }
0x6e: {  	_ =	shalt  }
0x6f: {  	_ =	shalt  }
0x70: {  	_ =	shalt  }
0x71: {  	_ =	shalt  }
0x72: {  	_ =	shalt  }
0x73: {  	_ =	shalt  }
0x74: {  	_ =	shalt  }
0x75: {  	_ =	shalt  }
0x76: {  	_ =	shalt  }
0x77: {  	_ =	shalt  }
0x78: {  	_ =	shalt  }
0x79: {  	_ =	shalt  }
0x7a: {  	_ =	shalt  }
0x7b: {  	_ =	shalt  }
0x7c: {  	_ =	shalt  }
0x7d: {  	_ =	shalt  }
0x7e: {  	_ =	shalt  }
0x7f: {  	_ =	shalt  }
0x80: {  	_ =	shalt  }
0x81: {  	_ =	shalt  }
0x82: {  	_ =	shalt  }
0x83: {  	_ =	shalt  }
0x84: {  	_ =	shalt  }
0x85: {  	_ =	shalt  }
0x86: {  	_ =	shalt  }
0x87: {  	_ =	shalt  }
.Lfunc_end0:
.L_simem_size_0:
called_computation.1_lowered:
.L_overlay_start_0:
0x88: {  	s2 =	sld [smem:$0x3FD9]  }
0x89: {  	s3 =	sld [smem:$0x3FFE];
	_ =	sdelay $0x1  }
0x8a: {  	s1 =	srdreg.scid  }
0x8b: {  	s0 =	sand.u32 $0x1, s1  }
0x8c: {  	s14 =	sshll.u32 s0, $0xA;
	s2 =	sadd.s32 s3, s2  }
0x8d: {  	s2 =	sadd.s32 s2, s14  }
0x8e: {  	[smem:$0x3FB9] =	sst s2  }
0x8f: {  	_ = 	snop  }
0x90: {  	s2 =	sld [smem:$0x3FD0];
	_ =	sdelay $0x2  }
0x91: {  	s15 =	simm.s32 $0xA;
	s4 =	simm.s32 $0x10  }
0x92: {  	[smem:s4], [sflag:s15] =	dma.local [hbm:s2], $0x1  }
0x93: {  	_ =	swait.eq [sflag:s15], $0x1  }
0x94: {  	[sflag:s15] =	ssyncset.done $0x0  }
0x95: {  	[sflag:s15] =	ssyncadd.s32 $0xFFFFFFFF  }
0x96: {  	s16 =	sld [smem:$0x10];
	(tm) =	ssettm $0x1  }
0x97: {  	s17 =	sld [smem:$0x3FFB];
	_ =	sdelay $0x3  }
0x98: {  	_ =	strace s17  }
0x99: {  	s3 =	sld [smem:$0x3FFC];
	_ =	sdelay $0x3  }
0x9a: {  	_ =	strace s3  }
0x9b: {  	s3 =	sld [smem:$0x3FFD];
	_ =	sdelay $0x3  }
0x9c: {  	_ =	strace s3  }
0x9d: {  	_ =	strace $0x8FFFFFFF  }
0x9e: {  	s18 =	sld [smem:$0x3FDB];
	_ =	sdelay $0x1  }
0x9f: {  	s19 =	simm.s32 $_scs_section_size  }
0xa0: {  	s5 =	simm.s32 $_size__tile_overlayer_lowered;
	s6 =	simm.s32 $_tile_overlayer_lowered  }
0xa1: {  	s22 =	simm.s32 $0x1BFF;
	s21 =	sshll.u32 s6, $0x1;
	s3 =	sadd.s32 s19, s18  }
0xa2: {  	s7 =	simm.s32 $0x0;
	s20 =	sshll.u32 s5, $0x1;
	s5 =	sadd.s32 s21, s3  }
0xa3: {  	[timem:s7], [sflag:s22] =	dma.local [hbm:s5], s20  }
0xa4: {  	_ =	swait.ge [sflag:s22], s20  }
0xa5: {  	s4 =	ssub.s32 $0x0, s20;
	[sflag:s22] =	ssyncset.done $0x0  }
0xa6: {  	[sflag:s22] =	ssyncadd.s32 s4;
	_ =	sdelay $0x1  }
0xa7: {  	s23 =	simm.s32 $0x1B8B  }
0xa8: {  	_ =	swait.ge [sflag:s23], $0x1  }
0xa9: {  	[sflag:s23] =	ssyncset.done $0x0  }
0xaa: {  	s25 =	simm.s32 $0x1B8E;
	s24 =	sld [smem:$0x3FFE];
	[sflag:s23] =	ssyncadd.s32 $0xFFFFFFFF  }
0xab: {  	s26 =	simm.s32 $execute0_lowered;
	[smem:$0x3FD2] =	sst s25  }
0xac: {  	s5 =	sshll.u32 s26, $0x1;
	_ =	strace $0x80000049;
	[dreg:$0x1] =	wrdreg $0xFFFFFFFF  }
0xad: {  	s28 =	simm.s32 $_size_execute0_lowered;
	s3 =	sadd.s32 s3, s5;
	[dreg:$0x0] =	wrdreg $0x0  }
0xae: {  	s5 =	sshll.u32 s28, $0x1;
	[dreg:$0x2] =	wrdreg s3  }
0xaf: {  	[dreg:$0x3] =	wrdreg s5  }
0xb0: {  	[dreg:$0x4] =	wrdreg $0xC0  }
0xb1: {  	_ =	task [dreg:s7], $0x5FFFF  }
0xb2: {  	[dreg:$0x1] =	wrdreg $0xFFFFFFFF  }
0xb3: {  	[dreg:$0x0] =	wrdreg $0x60  }
0xb4: {  	[dreg:$0x2] =	wrdreg s16  }
0xb5: {  	[dreg:$0x3] =	wrdreg s24  }
0xb6: {  	[dreg:$0x4] =	wrdreg $0x9  }
0xb7: {  	_ =	task.clear_ibuf [dreg:s7], $0x5FFFF;
	_ =	strace $0x90000049  }
0xb8: {  	s29 =	simm.s32 $0x9;
	_ =	strace $0x8000004B  }
0xb9: {  	_ =	swait.ge [sflag:s29], $0x1  }
0xba: {  	[sflag:s29] =	ssyncadd.s32 $0xFFFFFFFF  }
0xbb: {  	_ =	strace $0x9000004B  }
0xbc: {  	_ =	sfence  }
0xbd: {  	s30 =	sld [smem:$0x0];
	_ =	sdelay $0x2  }
0xbe: {  	s31 =	sshll.u32 s1, $0xD;
	s1 =	sshrl.u32 s1, $0x2  }
0xbf: {  	s3 =	sand.u32 $0x4000, s31;
	s1 =	sadd.s32 s1, s30  }
0xc0: {  	s0 =	sor.u32 s3, s0;
	s1 =	sshll.u32 s1, $0x11  }
0xc1: {  	s0 =	sor.u32 s1, s0  }
0xc2: {  	s0 =	sadd.s32 $0x8F2B, s0  }
0xc3: {  	[sflag:s0] =	ssyncadd.remote.s32 $0x1  }
0xc4: {  	_ =	sfence.sel $0xFFFF  }
0xc5: {  	[dreg:$0x0] =	wrdreg $0xFFFFFFFF;
	(pc) =	sbr.abs _section_cstart, $3  }
0xc6: {  	[dreg:$0x1] =	wrdreg $0xFFFFFFFF  }
0xc7: {  	_ =	task.clear_ibuf [dreg:s7], $0x2FFFF;
	_ =	strace $0x9FFFFFFF  }
0xc8: {  	(tm) =	ssettm $0x7FFFFFFF  }
0xc9: {  	_ =	shalt  }
tec
execute0_lowered:
.L_overlay_start_1:
0x0: {  	(tag) =	ssettag $0x1  }
0x1: {  	s4 =	rddreg [dreg:$0x0]  }
0x2: {  	s5 =	rddreg [dreg:$0x1]  }
0x3: {  	s0 =	rddreg [dreg:$0x2];
	s2 =	simm.s32 $0x0;
	s3 =	srdreg.scid  }
0x4: {  	s1 =	stileid.u32;
	s10 =	simm.s32 $0x900;
	s11 =	simm.s32 $0x1100  }
0x5: {  	s12 =	simm.s32 $0x1900;
	s13 =	simm.s32 $0x2100;
	s14 =	simm.s32 $0x2900  }
0x6: {  	s15 =	simm.s32 $0x3100;
	s16 =	simm.s32 $0x3900;
	s17 =	simm.s32 $0x4100  }
0x7: {  	s18 =	simm.s32 $0x4900;
	s19 =	simm.s32 $0x5100;
	s20 =	simm.s32 $0x5900  }
0x8: {  	s21 =	simm.s32 $0x6100;
	s22 =	simm.s32 $0x6900;
	s23 =	simm.s32 $0x7100  }
0x9: {  	s24 =	simm.s32 $0x7900;
	s25 =	simm.s32 $0x1;
	s6 =	sand.u32 $0x1, s3  }
0xa: {  	[smem:$0x7FF] =	sst s2;
	s7 =	sshll.u32 s1, $0x9;
	s8 =	sshll.u32 s6, $0x8  }
0xb: {  	s3 =	sadd.s32 $0xC2C00, s5;
	s6 =	ssub.s32 $0x2, s6;
	s7 =	sor.u32 s8, s7  }
0xc: {  	_ =	strace $0x8000004A;
	s9 =	sshrl.u32 s6, $0x1;
	s8 =	sshll.u32 s7, $0x5  }
0xd: {  	v2 =	vlaneseq.u32;
	s7 =	sshrl.u32 s7, $0x3;
	s9 =	ssub.s32 s6, s9;
	s8 =	sadd.s32 s8, s5  }
0xe: {  	vm0 =	vmmov $0xffff;
	v1 =	vshrl.u32 v2, $0x3;
	s4 =	sadd.s32 s4, s7;
	s7 =	smax.u32 s9, $0x1;
	s9 =	simm.s32 $0x100  }
0xf: {  	v0 =	vand.u32 $0x7, v2;
	v2 =	vor.u32 $0x8, v2;
	v1 =	vmul.u32 $0x8, v1;
	s5 =	sadd.s32 $0x2C00, s8;
	s6 =	sadd.s32 $0x3C00, s8;
	s8 =	simm.s32 $0x2  }
.LBB2_1:
0x10: {  	[tilespmem:s2], [sflag:$0x2] =	stream.linear.gather [hbm4b:s4+s2], $0x100, $0x38;
	[tilespmem:$0x8100] =	vst v63  }
0x11: {  	_ =	swait.ge [sflag:s8], $0x100  }
0x12: {  	[sflag:s8] =	ssyncset.done $0x0  }
0x13: {  	[sflag:s8] =	ssyncadd.s32 $0xFFFFFF00  }
0x14: {  	v3 =	vld [tilespmem:$0x0];
	_ =	sdelay $0x4  }
0x15: {  	v4 =	vshll.u32 v3, $0x1  }
0x16: {  	v3 =	vand.u32 $0x7, v3;
	v4 =	vand.u32 $0xFFFFFFF0, v4  }
0x17: {  	v3 =	vor.u32 v3, v4  }
0x18: {  	v4 =	vperm.xlane v3, v0;
	_ =	sdelay $0x1  }
0x19: {  	v3 =	vperm.xlane v3, v2;
	v4 =	vadd.s32 v1, v4;
	_ =	sdelay $0x1  }
0x1a: {  	v3 =	vadd.s32 v1, v3;
	_ =	sdelay $0x2  }
0x1b: {  	[tilespmem:s9], [sflag:$0x1] =	stream.indirect_vreg.gather [hbm4b:s3+s2], $0x80, v4, vm0, $0xb8;
	[tilespmem:$0x8100] =	vst v63  }
0x1c: {  	_ = 	snop  }
0x1d: {  	[tilespmem:s10], [sflag:$0x1] =	stream.indirect_vreg.gather [hbm4b:s3+s2], $0x80, v3, vm0, $0xb8;
	[tilespmem:$0x8100] =	vst v63  }
0x1e: {  	v3 =	vld [tilespmem:$0x10];
	_ =	sdelay $0x4  }
0x1f: {  	v49 =	vshll.u32 v3, $0x1  }
0x20: {  	v3 =	vand.u32 $0x7, v3;
	v4 =	vand.u32 $0xFFFFFFF0, v49  }
0x21: {  	v3 =	vor.u32 v3, v4  }
0x22: {  	v4 =	vperm.xlane v3, v0;
	_ =	sdelay $0x1  }
0x23: {  	v3 =	vperm.xlane v3, v2;
	v4 =	vadd.s32 v1, v4;
	_ =	sdelay $0x1  }
0x24: {  	v3 =	vadd.s32 v1, v3;
	_ =	sdelay $0x2  }
0x25: {  	[tilespmem:s11], [sflag:$0x1] =	stream.indirect_vreg.gather [hbm4b:s3+s2], $0x80, v4, vm0, $0xb8;
	[tilespmem:$0x8100] =	vst v63  }
0x26: {  	_ = 	snop  }
0x27: {  	[tilespmem:s12], [sflag:$0x1] =	stream.indirect_vreg.gather [hbm4b:s3+s2], $0x80, v3, vm0, $0xb8;
	[tilespmem:$0x8100] =	vst v63  }
0x28: {  	v3 =	vld [tilespmem:$0x20];
	_ =	sdelay $0x4  }
0x29: {  	v50 =	vshll.u32 v3, $0x1  }
0x2a: {  	v3 =	vand.u32 $0x7, v3;
	v4 =	vand.u32 $0xFFFFFFF0, v50  }
0x2b: {  	v3 =	vor.u32 v3, v4  }
0x2c: {  	v4 =	vperm.xlane v3, v0;
	_ =	sdelay $0x1  }
0x2d: {  	v3 =	vperm.xlane v3, v2;
	v4 =	vadd.s32 v1, v4;
	_ =	sdelay $0x1  }
0x2e: {  	v3 =	vadd.s32 v1, v3;
	_ =	sdelay $0x2  }
0x2f: {  	[tilespmem:s13], [sflag:$0x1] =	stream.indirect_vreg.gather [hbm4b:s3+s2], $0x80, v4, vm0, $0xb8;
	[tilespmem:$0x8100] =	vst v63  }
0x30: {  	_ = 	snop  }
0x31: {  	[tilespmem:s14], [sflag:$0x1] =	stream.indirect_vreg.gather [hbm4b:s3+s2], $0x80, v3, vm0, $0xb8;
	[tilespmem:$0x8100] =	vst v63  }
0x32: {  	v3 =	vld [tilespmem:$0x30];
	_ =	sdelay $0x4  }
0x33: {  	v51 =	vshll.u32 v3, $0x1  }
0x34: {  	v3 =	vand.u32 $0x7, v3;
	v4 =	vand.u32 $0xFFFFFFF0, v51  }
0x35: {  	v3 =	vor.u32 v3, v4  }
0x36: {  	v4 =	vperm.xlane v3, v0;
	_ =	sdelay $0x1  }
0x37: {  	v3 =	vperm.xlane v3, v2;
	v4 =	vadd.s32 v1, v4;
	_ =	sdelay $0x1  }
0x38: {  	v3 =	vadd.s32 v1, v3;
	_ =	sdelay $0x2  }
0x39: {  	[tilespmem:s15], [sflag:$0x1] =	stream.indirect_vreg.gather [hbm4b:s3+s2], $0x80, v4, vm0, $0xb8;
	[tilespmem:$0x8100] =	vst v63  }
0x3a: {  	_ = 	snop  }
0x3b: {  	[tilespmem:s16], [sflag:$0x1] =	stream.indirect_vreg.gather [hbm4b:s3+s2], $0x80, v3, vm0, $0xb8;
	[tilespmem:$0x8100] =	vst v63  }
0x3c: {  	v3 =	vld [tilespmem:$0x40];
	_ =	sdelay $0x4  }
0x3d: {  	v52 =	vshll.u32 v3, $0x1  }
0x3e: {  	v3 =	vand.u32 $0x7, v3;
	v4 =	vand.u32 $0xFFFFFFF0, v52  }
0x3f: {  	v3 =	vor.u32 v3, v4  }
0x40: {  	v4 =	vperm.xlane v3, v0;
	_ =	sdelay $0x1  }
0x41: {  	v3 =	vperm.xlane v3, v2;
	v4 =	vadd.s32 v1, v4;
	_ =	sdelay $0x1  }
0x42: {  	v3 =	vadd.s32 v1, v3;
	_ =	sdelay $0x2  }
0x43: {  	[tilespmem:s17], [sflag:$0x1] =	stream.indirect_vreg.gather [hbm4b:s3+s2], $0x80, v4, vm0, $0xb8;
	[tilespmem:$0x8100] =	vst v63  }
0x44: {  	_ = 	snop  }
0x45: {  	[tilespmem:s18], [sflag:$0x1] =	stream.indirect_vreg.gather [hbm4b:s3+s2], $0x80, v3, vm0, $0xb8;
	[tilespmem:$0x8100] =	vst v63  }
0x46: {  	v3 =	vld [tilespmem:$0x50];
	_ =	sdelay $0x4  }
0x47: {  	v53 =	vshll.u32 v3, $0x1  }
0x48: {  	v3 =	vand.u32 $0x7, v3;
	v4 =	vand.u32 $0xFFFFFFF0, v53  }
0x49: {  	v3 =	vor.u32 v3, v4  }
0x4a: {  	v4 =	vperm.xlane v3, v0;
	_ =	sdelay $0x1  }
0x4b: {  	v3 =	vperm.xlane v3, v2;
	v4 =	vadd.s32 v1, v4;
	_ =	sdelay $0x1  }
0x4c: {  	v3 =	vadd.s32 v1, v3;
	_ =	sdelay $0x2  }
0x4d: {  	[tilespmem:s19], [sflag:$0x1] =	stream.indirect_vreg.gather [hbm4b:s3+s2], $0x80, v4, vm0, $0xb8;
	[tilespmem:$0x8100] =	vst v63  }
0x4e: {  	_ = 	snop  }
0x4f: {  	[tilespmem:s20], [sflag:$0x1] =	stream.indirect_vreg.gather [hbm4b:s3+s2], $0x80, v3, vm0, $0xb8;
	[tilespmem:$0x8100] =	vst v63  }
0x50: {  	v3 =	vld [tilespmem:$0x60];
	_ =	sdelay $0x4  }
0x51: {  	v54 =	vshll.u32 v3, $0x1  }
0x52: {  	v3 =	vand.u32 $0x7, v3;
	v4 =	vand.u32 $0xFFFFFFF0, v54  }
0x53: {  	v3 =	vor.u32 v3, v4  }
0x54: {  	v4 =	vperm.xlane v3, v0;
	_ =	sdelay $0x1  }
0x55: {  	v3 =	vperm.xlane v3, v2;
	v4 =	vadd.s32 v1, v4;
	_ =	sdelay $0x1  }
0x56: {  	v3 =	vadd.s32 v1, v3;
	_ =	sdelay $0x2  }
0x57: {  	[tilespmem:s21], [sflag:$0x1] =	stream.indirect_vreg.gather [hbm4b:s3+s2], $0x80, v4, vm0, $0xb8;
	[tilespmem:$0x8100] =	vst v63  }
0x58: {  	_ = 	snop  }
0x59: {  	[tilespmem:s22], [sflag:$0x1] =	stream.indirect_vreg.gather [hbm4b:s3+s2], $0x80, v3, vm0, $0xb8;
	[tilespmem:$0x8100] =	vst v63  }
0x5a: {  	v3 =	vld [tilespmem:$0x70];
	_ =	sdelay $0x4  }
0x5b: {  	v55 =	vshll.u32 v3, $0x1  }
0x5c: {  	v3 =	vand.u32 $0x7, v3;
	v4 =	vand.u32 $0xFFFFFFF0, v55  }
0x5d: {  	v3 =	vor.u32 v3, v4  }
0x5e: {  	v4 =	vperm.xlane v3, v0;
	_ =	sdelay $0x1  }
0x5f: {  	v3 =	vperm.xlane v3, v2;
	v4 =	vadd.s32 v1, v4;
	_ =	sdelay $0x1  }
0x60: {  	v3 =	vadd.s32 v1, v3;
	_ =	sdelay $0x2  }
0x61: {  	[tilespmem:s23], [sflag:$0x1] =	stream.indirect_vreg.gather [hbm4b:s3+s2], $0x80, v4, vm0, $0xb8;
	[tilespmem:$0x8100] =	vst v63  }
0x62: {  	_ = 	snop  }
0x63: {  	[tilespmem:s24], [sflag:$0x1] =	stream.indirect_vreg.gather [hbm4b:s3+s2], $0x80, v3, vm0, $0xb8;
	[tilespmem:$0x8100] =	vst v63  }
0x64: {  	_ =	swait.ge [sflag:s25], $0x8000  }
0x65: {  	[sflag:s25] =	ssyncset.done $0x0  }
0x66: {  	[sflag:s25] =	ssyncadd.s32 $0xFFFF8000  }
0x67: {  	[hbm4b:s5+s2] =	stream.linear.scatter [tilespmem:s9], [sflag:$0x2], $0x8000, $0x38;
	[tilespmem:$0x8100] =	vst v63  }
0x68: {  	_ =	swait.ge [sflag:s8], $0x8000  }
0x69: {  	[sflag:s8] =	ssyncset.done $0x0  }
0x6a: {  	[sflag:s8] =	ssyncadd.s32 $0xFFFF8000  }
0x6b: {  	v3 =	vld [tilespmem:$0x80];
	_ =	sdelay $0x4  }
0x6c: {  	v56 =	vshll.u32 v3, $0x1  }
0x6d: {  	v3 =	vand.u32 $0x7, v3;
	v4 =	vand.u32 $0xFFFFFFF0, v56  }
0x6e: {  	v3 =	vor.u32 v3, v4  }
0x6f: {  	v4 =	vperm.xlane v3, v0;
	_ =	sdelay $0x1  }
0x70: {  	v3 =	vperm.xlane v3, v2;
	v4 =	vadd.s32 v1, v4;
	_ =	sdelay $0x1  }
0x71: {  	v3 =	vadd.s32 v1, v3;
	_ =	sdelay $0x2  }
0x72: {  	[tilespmem:s9], [sflag:$0x1] =	stream.indirect_vreg.gather [hbm4b:s3+s2], $0x80, v4, vm0, $0xb8;
	[tilespmem:$0x8100] =	vst v63  }
0x73: {  	_ = 	snop  }
0x74: {  	[tilespmem:s10], [sflag:$0x1] =	stream.indirect_vreg.gather [hbm4b:s3+s2], $0x80, v3, vm0, $0xb8;
	[tilespmem:$0x8100] =	vst v63  }
0x75: {  	v3 =	vld [tilespmem:$0x90];
	_ =	sdelay $0x4  }
0x76: {  	v57 =	vshll.u32 v3, $0x1  }
0x77: {  	v3 =	vand.u32 $0x7, v3;
	v4 =	vand.u32 $0xFFFFFFF0, v57  }
0x78: {  	v3 =	vor.u32 v3, v4  }
0x79: {  	v4 =	vperm.xlane v3, v0;
	_ =	sdelay $0x1  }
0x7a: {  	v3 =	vperm.xlane v3, v2;
	v4 =	vadd.s32 v1, v4;
	_ =	sdelay $0x1  }
0x7b: {  	v3 =	vadd.s32 v1, v3;
	_ =	sdelay $0x2  }
0x7c: {  	[tilespmem:s11], [sflag:$0x1] =	stream.indirect_vreg.gather [hbm4b:s3+s2], $0x80, v4, vm0, $0xb8;
	[tilespmem:$0x8100] =	vst v63  }
0x7d: {  	_ = 	snop  }
0x7e: {  	[tilespmem:s12], [sflag:$0x1] =	stream.indirect_vreg.gather [hbm4b:s3+s2], $0x80, v3, vm0, $0xb8;
	[tilespmem:$0x8100] =	vst v63  }
0x7f: {  	v3 =	vld [tilespmem:$0xA0];
	_ =	sdelay $0x4  }
0x80: {  	v58 =	vshll.u32 v3, $0x1  }
0x81: {  	v3 =	vand.u32 $0x7, v3;
	v4 =	vand.u32 $0xFFFFFFF0, v58  }
0x82: {  	v3 =	vor.u32 v3, v4  }
0x83: {  	v4 =	vperm.xlane v3, v0;
	_ =	sdelay $0x1  }
0x84: {  	v3 =	vperm.xlane v3, v2;
	v4 =	vadd.s32 v1, v4;
	_ =	sdelay $0x1  }
0x85: {  	v3 =	vadd.s32 v1, v3;
	_ =	sdelay $0x2  }
0x86: {  	[tilespmem:s13], [sflag:$0x1] =	stream.indirect_vreg.gather [hbm4b:s3+s2], $0x80, v4, vm0, $0xb8;
	[tilespmem:$0x8100] =	vst v63  }
0x87: {  	_ = 	snop  }
0x88: {  	[tilespmem:s14], [sflag:$0x1] =	stream.indirect_vreg.gather [hbm4b:s3+s2], $0x80, v3, vm0, $0xb8;
	[tilespmem:$0x8100] =	vst v63  }
0x89: {  	v3 =	vld [tilespmem:$0xB0];
	_ =	sdelay $0x4  }
0x8a: {  	v59 =	vshll.u32 v3, $0x1  }
0x8b: {  	v3 =	vand.u32 $0x7, v3;
	v4 =	vand.u32 $0xFFFFFFF0, v59  }
0x8c: {  	v3 =	vor.u32 v3, v4  }
0x8d: {  	v4 =	vperm.xlane v3, v0;
	_ =	sdelay $0x1  }
0x8e: {  	v3 =	vperm.xlane v3, v2;
	v4 =	vadd.s32 v1, v4;
	_ =	sdelay $0x1  }
0x8f: {  	v3 =	vadd.s32 v1, v3;
	_ =	sdelay $0x2  }
0x90: {  	[tilespmem:s15], [sflag:$0x1] =	stream.indirect_vreg.gather [hbm4b:s3+s2], $0x80, v4, vm0, $0xb8;
	[tilespmem:$0x8100] =	vst v63  }
0x91: {  	_ = 	snop  }
0x92: {  	[tilespmem:s16], [sflag:$0x1] =	stream.indirect_vreg.gather [hbm4b:s3+s2], $0x80, v3, vm0, $0xb8;
	[tilespmem:$0x8100] =	vst v63  }
0x93: {  	v3 =	vld [tilespmem:$0xC0];
	_ =	sdelay $0x4  }
0x94: {  	v60 =	vshll.u32 v3, $0x1  }
0x95: {  	v3 =	vand.u32 $0x7, v3;
	v4 =	vand.u32 $0xFFFFFFF0, v60  }
0x96: {  	v3 =	vor.u32 v3, v4  }
0x97: {  	v4 =	vperm.xlane v3, v0;
	_ =	sdelay $0x1  }
0x98: {  	v3 =	vperm.xlane v3, v2;
	v4 =	vadd.s32 v1, v4;
	_ =	sdelay $0x1  }
0x99: {  	v3 =	vadd.s32 v1, v3;
	_ =	sdelay $0x2  }
0x9a: {  	[tilespmem:s17], [sflag:$0x1] =	stream.indirect_vreg.gather [hbm4b:s3+s2], $0x80, v4, vm0, $0xb8;
	[tilespmem:$0x8100] =	vst v63  }
0x9b: {  	_ = 	snop  }
0x9c: {  	[tilespmem:s18], [sflag:$0x1] =	stream.indirect_vreg.gather [hbm4b:s3+s2], $0x80, v3, vm0, $0xb8;
	[tilespmem:$0x8100] =	vst v63  }
0x9d: {  	v3 =	vld [tilespmem:$0xD0];
	_ =	sdelay $0x4  }
0x9e: {  	v61 =	vshll.u32 v3, $0x1  }
0x9f: {  	v3 =	vand.u32 $0x7, v3;
	v4 =	vand.u32 $0xFFFFFFF0, v61  }
0xa0: {  	v3 =	vor.u32 v3, v4  }
0xa1: {  	v4 =	vperm.xlane v3, v0;
	_ =	sdelay $0x1  }
0xa2: {  	v3 =	vperm.xlane v3, v2;
	v4 =	vadd.s32 v1, v4;
	_ =	sdelay $0x1  }
0xa3: {  	v3 =	vadd.s32 v1, v3;
	_ =	sdelay $0x2  }
0xa4: {  	[tilespmem:s19], [sflag:$0x1] =	stream.indirect_vreg.gather [hbm4b:s3+s2], $0x80, v4, vm0, $0xb8;
	[tilespmem:$0x8100] =	vst v63  }
0xa5: {  	_ = 	snop  }
0xa6: {  	[tilespmem:s20], [sflag:$0x1] =	stream.indirect_vreg.gather [hbm4b:s3+s2], $0x80, v3, vm0, $0xb8;
	[tilespmem:$0x8100] =	vst v63  }
0xa7: {  	v3 =	vld [tilespmem:$0xE0];
	_ =	sdelay $0x4  }
0xa8: {  	v62 =	vshll.u32 v3, $0x1  }
0xa9: {  	v3 =	vand.u32 $0x7, v3;
	v4 =	vand.u32 $0xFFFFFFF0, v62  }
0xaa: {  	v3 =	vor.u32 v3, v4  }
0xab: {  	v4 =	vperm.xlane v3, v0;
	_ =	sdelay $0x1  }
0xac: {  	v3 =	vperm.xlane v3, v2;
	v4 =	vadd.s32 v1, v4;
	_ =	sdelay $0x1  }
0xad: {  	v3 =	vadd.s32 v1, v3;
	_ =	sdelay $0x2  }
0xae: {  	[tilespmem:s21], [sflag:$0x1] =	stream.indirect_vreg.gather [hbm4b:s3+s2], $0x80, v4, vm0, $0xb8;
	[tilespmem:$0x8100] =	vst v63  }
0xaf: {  	_ = 	snop  }
0xb0: {  	[tilespmem:s22], [sflag:$0x1] =	stream.indirect_vreg.gather [hbm4b:s3+s2], $0x80, v3, vm0, $0xb8;
	[tilespmem:$0x8100] =	vst v63  }
0xb1: {  	v3 =	vld [tilespmem:$0xF0];
	_ =	sdelay $0x4  }
0xb2: {  	v63 =	vshll.u32 v3, $0x1  }
0xb3: {  	v3 =	vand.u32 $0x7, v3;
	v4 =	vand.u32 $0xFFFFFFF0, v63  }
0xb4: {  	v3 =	vor.u32 v3, v4  }
0xb5: {  	v4 =	vperm.xlane v3, v0;
	_ =	sdelay $0x1  }
0xb6: {  	v3 =	vperm.xlane v3, v2;
	v4 =	vadd.s32 v1, v4;
	_ =	sdelay $0x1  }
0xb7: {  	v3 =	vadd.s32 v1, v3;
	_ =	sdelay $0x2  }
0xb8: {  	[tilespmem:s23], [sflag:$0x1] =	stream.indirect_vreg.gather [hbm4b:s3+s2], $0x80, v4, vm0, $0xb8;
	[tilespmem:$0x8100] =	vst v63  }
0xb9: {  	_ = 	snop  }
0xba: {  	[tilespmem:s24], [sflag:$0x1] =	stream.indirect_vreg.gather [hbm4b:s3+s2], $0x80, v3, vm0, $0xb8;
	[tilespmem:$0x8100] =	vst v63  }
0xbb: {  	_ =	swait.ge [sflag:s25], $0x8000  }
0xbc: {  	p0 =	sne.s32 s7, $0x1;
	[sflag:s25] =	ssyncset.done $0x0  }
.Ltmp0:
0xbd: {  	[sflag:s25] =	ssyncadd.s32 $0xFFFF8000;
	(pc) =	sbr.rel @p0 .LBB2_1-.Ltmp0, $4  }
0xbe: {  	[hbm4b:s6+s2] =	stream.linear.scatter [tilespmem:s9], [sflag:$0x2], $0x8000, $0x38;
	[tilespmem:$0x8100] =	vst v63  }
0xbf: {  	_ =	swait.ge [sflag:s8], $0x8000  }
0xc0: {  	[sflag:s8] =	ssyncset.done $0x0  }
0xc1: {  	s7 =	sadd.s32 $0xFFFFFFFF, s7;
	[sflag:s8] =	ssyncadd.s32 $0xFFFF8000  }
0xc2: {  	_ =	sfence.sel $0x180000  }
0xc3: {  	[bflag:$0x0] =	sbarrier.arrive $0xFFFF  }
0xc4: {  	p0 =	sne.s32 s1, $0x0;
	_ =	strace $0x9000004A  }
0xc5: {  	s0 =	sadd.s32 @!p0 $0x100000, s0;
	[bflag:$0x2] =	sbarrier.arrive $0xFFFF  }
0xc6: {  	[sflag:s0] =	ssyncadd.tile.s32 @!p0 $0x1;
	_ =	shalt  }
.Lfunc_end2:
_tile_overlayer_lowered:
.L_overlay_start_2:
0xc7: {  	(tag) =	ssettag $0x2  }
0xc8: {  	s0 =	rddreg [dreg:$0x0];
	s2 =	stileid.u32  }
0xc9: {  	s1 =	rddreg [dreg:$0x1];
	p0 =	sne.s32 s2, $0x0  }
0xca: {  	s3 =	rddreg [dreg:$0x2];
	[bflag:$0x3] =	sbarrier.arrive $0xFFFF;
	s2 =	simm.s32 @!p0 $0x1C02  }
0xcb: {  	[timem:s3], [sflag:s2] =	dma.local @!p0 [hbm:s0], s1  }
0xcc: {  	s0 =	simm.s32 @!p0 $0x2  }
0xcd: {  	_ =	swait.ge @!p0 [sflag:s0], s1  }
0xce: {  	s1 =	ssub.s32 @!p0 $0x0, s1;
	[sflag:s0] =	ssyncset.done @!p0 $0x0  }
0xcf: {  	[sflag:s0] =	ssyncadd.s32 @!p0 s1  }
0xd0: {  	[bflag:$0x3] =	sbarrier.arrive $0xFFFF  }
0xd1: {  	_ =	shalt  }

// kernel: kernel.8.cloned.1.call-start
scs
__scs_entry_jumppad:
0x0: {  	(pc) =	sbr.rel $0x88, $3  }
0x1: {  	(tag) =	ssettag $0x0;
	lr =	simm.s32 $0x1  }
0x2: {  	[smem:$0x3F92] =	sst lr;
	_ =	strace $0xD0000000  }
0x3: {  	_ = 	snop  }
0x4: {  	_ = 	snop  }
0x5: {  	_ = 	snop  }
0x6: {  	_ = 	snop  }
0x7: {  	_ = 	snop  }
__scs_overlays_trampoline_lowered:
0x8: {  	[smem:$0x3FA1] =	sst s0  }
0x9: {  	[smem:$0x3FA2] =	sst s1  }
0xa: {  	[smem:$0x3FA3] =	sst s2  }
0xb: {  	[smem:$0x3FA4] =	sst s3  }
0xc: {  	[smem:$0x3FA5] =	sst s4  }
0xd: {  	[smem:$0x3FA6] =	sst s5  }
0xe: {  	[smem:$0x3FA7] =	sst s6  }
0xf: {  	[smem:$0x3FA8] =	sst s7  }
0x10: {  	[smem:$0x3FA9] =	sst s8  }
0x11: {  	[smem:$0x3FAA] =	sst s9;
	s0 =	simm.s32 @!p0 $0x0  }
0x12: {  	s1 =	sld [smem:$0x3F90];
	s0 =	simm.s32 @p0 $0x1  }
0x13: {  	[smem:$0x3FAB] =	sst s0;
	s0 =	simm.s32 @!p1 $0x0  }
0x14: {  	s2 =	sld [smem:$0x3F8F];
	s0 =	simm.s32 @p1 $0x1  }
0x15: {  	[smem:$0x3FAC] =	sst s0;
	s0 =	simm.s32 @!p2 $0x0  }
0x16: {  	s3 =	sld [smem:$0x3FDB];
	s0 =	simm.s32 @p2 $0x1  }
0x17: {  	s4 =	simm.s32 $0x1BF5;
	[smem:$0x3FAE] =	sst s0  }
0x18: {  	s0 =	sld [smem:$0x3F91];
	_ =	swait.ge [sflag:s4], $0x0  }
0x19: {  	s7 =	sld [smem:$0x3F92]  }
0x1a: {  	s8 =	sadd.s32 $0xFFFFE003, lr  }
0x1b: {  	s9 =	sadd.s32 $0xFFFFFEF7, lr;
	s5 =	simm.s32 $0xFFFFFFFF;
	p2 =	slt.u32 s8, $0xFFFFF086  }
0x1c: {  	p1 =	slt.u32 s9, $0xF7A;
	s5 =	simm.s32 @!p2 $0x0  }
0x1d: {  	s5 =	simm.s32 @p1 $0x1;
	p0 =	seq.s32 s7, s2  }
0x1e: {  	s7 =	smul.u32 @!p0 $0xF7A, s2;
	p2 =	seq.s32 @!p0 s5, $0x0  }
0x1f: {  	s9 =	smul.u32 $0xF7A, s1;
	s8 =	simm.s32 @!p0 $0x1BF5;
	p2 =	por !p2, p0  }
0x20: {  	[sflag:s8] =	ssyncset.s32 @!p0 $0xFFFFF086;
	s6 =	sadd.s32 @!p0 s3, s7;
	s7 =	simm.s32 @!p0 $0x108  }
0x21: {  	s3 =	sadd.s32 s3, s9;
	s6 =	sadd.s32 @!p0 $0x88, s6;
	s7 =	simm.s32 @p2 $0x1082  }
0x22: {  	[simem:s7], [sflag:s8] =	dma.local @!p0 [hbm:s6], $0xF7A  }
0x23: {  	s9 =	sor.u32 $0xD0000000, s2;
	s6 =	simm.s32 $0x108;
	_ =	swait.ge @!p0 [sflag:s8], $0x0  }
0x24: {  	s3 =	sadd.s32 $0x88, s3;
	s6 =	simm.s32 @!p1 $0x1082;
	[sflag:s4] =	ssyncset.s32 $0xFFFFF086  }
0x25: {  	[simem:s6], [sflag:s4] =	dma.local [hbm:s3], $0xF7A  }
0x26: {  	[smem:$0x3F92] =	sst s1;
	(tag) =	ssettag s2;
	_ =	strace s9  }
0x27: {  	s1 =	sld [smem:$0x3FA2]  }
0x28: {  	s2 =	sld [smem:$0x3FA3]  }
0x29: {  	s4 =	sld [smem:$0x3FA5]  }
0x2a: {  	p0 =	seq.s32 s5, $0x0;
	s5 =	sld [smem:$0x3FA6]  }
0x2b: {  	s6 =	sld [smem:$0x3FA7]  }
0x2c: {  	s7 =	sld [smem:$0x3FA8]  }
0x2d: {  	s3 =	simm.s32 $0x108;
	s8 =	sld [smem:$0x3FA9]  }
0x2e: {  	s3 =	simm.s32 @!p0 $0x1082;
	s9 =	sld [smem:$0x3FAA]  }
0x2f: {  	lr =	sadd.s32 s0, s3;
	s0 =	sld [smem:$0x3FA1]  }
0x30: {  	s3 =	sld [smem:$0x3FA4]  }
0x31: {  	[smem:$0x3FAD] =	sst s10  }
0x32: {  	s10 =	sld [smem:$0x3FAB];
	_ =	sdelay $0x3  }
0x33: {  	p0 =	seq.s32 s10, $0x1;
	s10 =	sld [smem:$0x3FAD];
	_ =	sdelay $0x3  }
0x34: {  	[smem:$0x3FAD] =	sst s10  }
0x35: {  	s10 =	sld [smem:$0x3FAC];
	_ =	sdelay $0x3  }
0x36: {  	p1 =	seq.s32 s10, $0x1;
	s10 =	sld [smem:$0x3FAD];
	_ =	sdelay $0x3  }
0x37: {  	[smem:$0x3FAD] =	sst s10  }
0x38: {  	s10 =	sld [smem:$0x3FAE]  }
0x39: {  	_ = 	snop;
	(pc) =	sbr.ind lr, $3  }
0x3a: {  	_ = 	snop  }
0x3b: {  	_ = 	snop  }
0x3c: {  	p2 =	seq.s32 s10, $0x1;
	s10 =	sld [smem:$0x3FAD]  }
0x3d: {  	_ =	shalt  }
0x3e: {  	_ =	shalt  }
0x3f: {  	_ =	shalt  }
0x40: {  	_ =	shalt  }
0x41: {  	_ =	shalt  }
0x42: {  	_ =	shalt  }
0x43: {  	_ =	shalt  }
0x44: {  	_ =	shalt  }
0x45: {  	_ =	shalt  }
0x46: {  	_ =	shalt  }
0x47: {  	_ =	shalt  }
0x48: {  	_ =	shalt  }
0x49: {  	_ =	shalt  }
0x4a: {  	_ =	shalt  }
0x4b: {  	_ =	shalt  }
0x4c: {  	_ =	shalt  }
0x4d: {  	_ =	shalt  }
0x4e: {  	_ =	shalt  }
0x4f: {  	_ =	shalt  }
0x50: {  	_ =	shalt  }
0x51: {  	_ =	shalt  }
0x52: {  	_ =	shalt  }
0x53: {  	_ =	shalt  }
0x54: {  	_ =	shalt  }
0x55: {  	_ =	shalt  }
0x56: {  	_ =	shalt  }
0x57: {  	_ =	shalt  }
0x58: {  	_ =	shalt  }
0x59: {  	_ =	shalt  }
0x5a: {  	_ =	shalt  }
0x5b: {  	_ =	shalt  }
0x5c: {  	_ =	shalt  }
0x5d: {  	_ =	shalt  }
0x5e: {  	_ =	shalt  }
0x5f: {  	_ =	shalt  }
0x60: {  	_ =	shalt  }
0x61: {  	_ =	shalt  }
0x62: {  	_ =	shalt  }
0x63: {  	_ =	shalt  }
0x64: {  	_ =	shalt  }
0x65: {  	_ =	shalt  }
0x66: {  	_ =	shalt  }
0x67: {  	_ =	shalt  }
0x68: {  	_ =	shalt  }
0x69: {  	_ =	shalt  }
0x6a: {  	_ =	shalt  }
0x6b: {  	_ =	shalt  }
0x6c: {  	_ =	shalt  }
0x6d: {  	_ =	shalt  }
0x6e: {  	_ =	shalt  }
0x6f: {  	_ =	shalt  }
0x70: {  	_ =	shalt  }
0x71: {  	_ =	shalt  }
0x72: {  	_ =	shalt  }
0x73: {  	_ =	shalt  }
0x74: {  	_ =	shalt  }
0x75: {  	_ =	shalt  }
0x76: {  	_ =	shalt  }
0x77: {  	_ =	shalt  }
0x78: {  	_ =	shalt  }
0x79: {  	_ =	shalt  }
0x7a: {  	_ =	shalt  }
0x7b: {  	_ =	shalt  }
0x7c: {  	_ =	shalt  }
0x7d: {  	_ =	shalt  }
0x7e: {  	_ =	shalt  }
0x7f: {  	_ =	shalt  }
0x80: {  	_ =	shalt  }
0x81: {  	_ =	shalt  }
0x82: {  	_ =	shalt  }
0x83: {  	_ =	shalt  }
0x84: {  	_ =	shalt  }
0x85: {  	_ =	shalt  }
0x86: {  	_ =	shalt  }
0x87: {  	_ =	shalt  }
.Lfunc_end0:
.L_simem_size_0:
called_computation_lowered:
.L_overlay_start_0:
0x88: {  	s2 =	sld [smem:$0x3FD9]  }
0x89: {  	s3 =	sld [smem:$0x3FFE];
	_ =	sdelay $0x1  }
0x8a: {  	s1 =	srdreg.scid  }
0x8b: {  	s0 =	sand.u32 $0x1, s1  }
0x8c: {  	s14 =	sshll.u32 s0, $0xA;
	s2 =	sadd.s32 s3, s2  }
0x8d: {  	s2 =	sadd.s32 s2, s14  }
0x8e: {  	[smem:$0x3FB9] =	sst s2  }
0x8f: {  	_ = 	snop  }
0x90: {  	s2 =	sld [smem:$0x3FD0];
	_ =	sdelay $0x2  }
0x91: {  	s15 =	simm.s32 $0xA;
	s4 =	simm.s32 $0x10  }
0x92: {  	[smem:s4], [sflag:s15] =	dma.local [hbm:s2], $0x1  }
0x93: {  	_ =	swait.eq [sflag:s15], $0x1  }
0x94: {  	[sflag:s15] =	ssyncset.done $0x0  }
0x95: {  	[sflag:s15] =	ssyncadd.s32 $0xFFFFFFFF  }
0x96: {  	s16 =	sld [smem:$0x11];
	(tm) =	ssettm $0x1  }
0x97: {  	s17 =	sld [smem:$0x3FFB];
	_ =	sdelay $0x3  }
0x98: {  	_ =	strace s17  }
0x99: {  	s3 =	sld [smem:$0x3FFC];
	_ =	sdelay $0x3  }
0x9a: {  	_ =	strace s3  }
0x9b: {  	s3 =	sld [smem:$0x3FFD];
	_ =	sdelay $0x3  }
0x9c: {  	_ =	strace s3  }
0x9d: {  	_ =	strace $0x8FFFFFFF  }
0x9e: {  	s18 =	sld [smem:$0x3FDB];
	_ =	sdelay $0x1  }
0x9f: {  	s19 =	simm.s32 $_scs_section_size  }
0xa0: {  	s5 =	simm.s32 $_size__tile_overlayer_lowered;
	s6 =	simm.s32 $_tile_overlayer_lowered  }
0xa1: {  	s22 =	simm.s32 $0x1BFF;
	s21 =	sshll.u32 s6, $0x1;
	s3 =	sadd.s32 s19, s18  }
0xa2: {  	s7 =	simm.s32 $0x0;
	s20 =	sshll.u32 s5, $0x1;
	s5 =	sadd.s32 s21, s3  }
0xa3: {  	[timem:s7], [sflag:s22] =	dma.local [hbm:s5], s20  }
0xa4: {  	_ =	swait.ge [sflag:s22], s20  }
0xa5: {  	s4 =	ssub.s32 $0x0, s20;
	[sflag:s22] =	ssyncset.done $0x0  }
0xa6: {  	[sflag:s22] =	ssyncadd.s32 s4;
	_ =	sdelay $0x1  }
0xa7: {  	s23 =	simm.s32 $0x1B8B  }
0xa8: {  	_ =	swait.ge [sflag:s23], $0x1  }
0xa9: {  	[sflag:s23] =	ssyncset.done $0x0  }
0xaa: {  	s25 =	simm.s32 $0x1B8E;
	s24 =	sld [smem:$0x3FFE];
	[sflag:s23] =	ssyncadd.s32 $0xFFFFFFFF  }
0xab: {  	s26 =	simm.s32 $execute0_lowered;
	[smem:$0x3FD2] =	sst s25  }
0xac: {  	s5 =	sshll.u32 s26, $0x1;
	_ =	strace $0x80000046;
	[dreg:$0x1] =	wrdreg $0xFFFFFFFF  }
0xad: {  	s28 =	simm.s32 $_size_execute0_lowered;
	s3 =	sadd.s32 s3, s5;
	[dreg:$0x0] =	wrdreg $0x0  }
0xae: {  	s5 =	sshll.u32 s28, $0x1;
	[dreg:$0x2] =	wrdreg s3  }
0xaf: {  	[dreg:$0x3] =	wrdreg s5  }
0xb0: {  	[dreg:$0x4] =	wrdreg $0xC0  }
0xb1: {  	_ =	task [dreg:s7], $0x5FFFF  }
0xb2: {  	[dreg:$0x1] =	wrdreg $0xFFFFFFFF  }
0xb3: {  	[dreg:$0x0] =	wrdreg $0x60  }
0xb4: {  	[dreg:$0x2] =	wrdreg s16  }
0xb5: {  	[dreg:$0x3] =	wrdreg s24  }
0xb6: {  	[dreg:$0x4] =	wrdreg $0x9  }
0xb7: {  	_ =	task.clear_ibuf [dreg:s7], $0x5FFFF;
	_ =	strace $0x90000046  }
0xb8: {  	s29 =	simm.s32 $0x9;
	_ =	strace $0x80000048  }
0xb9: {  	_ =	swait.ge [sflag:s29], $0x1  }
0xba: {  	[sflag:s29] =	ssyncadd.s32 $0xFFFFFFFF  }
0xbb: {  	_ =	strace $0x90000048  }
0xbc: {  	_ =	sfence  }
0xbd: {  	s30 =	sld [smem:$0x0];
	_ =	sdelay $0x2  }
0xbe: {  	s31 =	sshll.u32 s1, $0xD;
	s1 =	sshrl.u32 s1, $0x2  }
0xbf: {  	s3 =	sand.u32 $0x4000, s31;
	s1 =	sadd.s32 s1, s30  }
0xc0: {  	s0 =	sor.u32 s3, s0;
	s1 =	sshll.u32 s1, $0x11  }
0xc1: {  	s0 =	sor.u32 s1, s0  }
0xc2: {  	s0 =	sadd.s32 $0x8F2B, s0  }
0xc3: {  	[sflag:s0] =	ssyncadd.remote.s32 $0x1  }
0xc4: {  	_ =	sfence.sel $0xFFFF  }
0xc5: {  	[dreg:$0x0] =	wrdreg $0xFFFFFFFF;
	(pc) =	sbr.abs _section_cstart, $3  }
0xc6: {  	[dreg:$0x1] =	wrdreg $0xFFFFFFFF  }
0xc7: {  	_ =	task.clear_ibuf [dreg:s7], $0x2FFFF;
	_ =	strace $0x9FFFFFFF  }
0xc8: {  	(tm) =	ssettm $0x7FFFFFFF  }
0xc9: {  	_ =	shalt  }
tec
execute0_lowered:
.L_overlay_start_1:
0x0: {  	(tag) =	ssettag $0x1  }
0x1: {  	s4 =	rddreg [dreg:$0x0]  }
0x2: {  	s5 =	rddreg [dreg:$0x1]  }
0x3: {  	s0 =	rddreg [dreg:$0x2];
	s2 =	simm.s32 $0x0;
	s3 =	srdreg.scid  }
0x4: {  	s1 =	stileid.u32;
	s10 =	simm.s32 $0x900;
	s11 =	simm.s32 $0x1100  }
0x5: {  	s12 =	simm.s32 $0x1900;
	s13 =	simm.s32 $0x2100;
	s14 =	simm.s32 $0x2900  }
0x6: {  	s15 =	simm.s32 $0x3100;
	s16 =	simm.s32 $0x3900;
	s17 =	simm.s32 $0x4100  }
0x7: {  	s18 =	simm.s32 $0x4900;
	s19 =	simm.s32 $0x5100;
	s20 =	simm.s32 $0x5900  }
0x8: {  	s21 =	simm.s32 $0x6100;
	s22 =	simm.s32 $0x6900;
	s23 =	simm.s32 $0x7100  }
0x9: {  	s24 =	simm.s32 $0x7900;
	s25 =	simm.s32 $0x1;
	s6 =	sand.u32 $0x1, s3  }
0xa: {  	[smem:$0x7FF] =	sst s2;
	s7 =	sshll.u32 s1, $0x9;
	s8 =	sshll.u32 s6, $0x8  }
0xb: {  	s3 =	sadd.s32 $0xC2C00, s5;
	s6 =	ssub.s32 $0x2, s6;
	s7 =	sor.u32 s8, s7  }
0xc: {  	_ =	strace $0x80000047;
	s9 =	sshrl.u32 s6, $0x1;
	s8 =	sshll.u32 s7, $0x5  }
0xd: {  	v2 =	vlaneseq.u32;
	s7 =	sshrl.u32 s7, $0x3;
	s9 =	ssub.s32 s6, s9;
	s8 =	sadd.s32 s8, s5  }
0xe: {  	vm0 =	vmmov $0xffff;
	v1 =	vshrl.u32 v2, $0x3;
	s4 =	sadd.s32 s4, s7;
	s7 =	smax.u32 s9, $0x1;
	s9 =	simm.s32 $0x100  }
0xf: {  	v0 =	vand.u32 $0x7, v2;
	v2 =	vor.u32 $0x8, v2;
	v1 =	vmul.u32 $0x8, v1;
	s5 =	sadd.s32 $0x82C00, s8;
	s6 =	sadd.s32 $0x83C00, s8;
	s8 =	simm.s32 $0x2  }
.LBB2_1:
0x10: {  	[tilespmem:s2], [sflag:$0x2] =	stream.linear.gather [hbm4b:s4+s2], $0x100, $0x38;
	[tilespmem:$0x8100] =	vst v63  }
0x11: {  	_ =	swait.ge [sflag:s8], $0x100  }
0x12: {  	[sflag:s8] =	ssyncset.done $0x0  }
0x13: {  	[sflag:s8] =	ssyncadd.s32 $0xFFFFFF00  }
0x14: {  	v3 =	vld [tilespmem:$0x0];
	_ =	sdelay $0x4  }
0x15: {  	v4 =	vshll.u32 v3, $0x1  }
0x16: {  	v3 =	vand.u32 $0x7, v3;
	v4 =	vand.u32 $0xFFFFFFF0, v4  }
0x17: {  	v3 =	vor.u32 v3, v4  }
0x18: {  	v4 =	vperm.xlane v3, v0;
	_ =	sdelay $0x1  }
0x19: {  	v3 =	vperm.xlane v3, v2;
	v4 =	vadd.s32 v1, v4;
	_ =	sdelay $0x1  }
0x1a: {  	v3 =	vadd.s32 v1, v3;
	_ =	sdelay $0x2  }
0x1b: {  	[tilespmem:s9], [sflag:$0x1] =	stream.indirect_vreg.gather [hbm4b:s3+s2], $0x80, v4, vm0, $0xb8;
	[tilespmem:$0x8100] =	vst v63  }
0x1c: {  	_ = 	snop  }
0x1d: {  	[tilespmem:s10], [sflag:$0x1] =	stream.indirect_vreg.gather [hbm4b:s3+s2], $0x80, v3, vm0, $0xb8;
	[tilespmem:$0x8100] =	vst v63  }
0x1e: {  	v3 =	vld [tilespmem:$0x10];
	_ =	sdelay $0x4  }
0x1f: {  	v49 =	vshll.u32 v3, $0x1  }
0x20: {  	v3 =	vand.u32 $0x7, v3;
	v4 =	vand.u32 $0xFFFFFFF0, v49  }
0x21: {  	v3 =	vor.u32 v3, v4  }
0x22: {  	v4 =	vperm.xlane v3, v0;
	_ =	sdelay $0x1  }
0x23: {  	v3 =	vperm.xlane v3, v2;
	v4 =	vadd.s32 v1, v4;
	_ =	sdelay $0x1  }
0x24: {  	v3 =	vadd.s32 v1, v3;
	_ =	sdelay $0x2  }
0x25: {  	[tilespmem:s11], [sflag:$0x1] =	stream.indirect_vreg.gather [hbm4b:s3+s2], $0x80, v4, vm0, $0xb8;
	[tilespmem:$0x8100] =	vst v63  }
0x26: {  	_ = 	snop  }
0x27: {  	[tilespmem:s12], [sflag:$0x1] =	stream.indirect_vreg.gather [hbm4b:s3+s2], $0x80, v3, vm0, $0xb8;
	[tilespmem:$0x8100] =	vst v63  }
0x28: {  	v3 =	vld [tilespmem:$0x20];
	_ =	sdelay $0x4  }
0x29: {  	v50 =	vshll.u32 v3, $0x1  }
0x2a: {  	v3 =	vand.u32 $0x7, v3;
	v4 =	vand.u32 $0xFFFFFFF0, v50  }
0x2b: {  	v3 =	vor.u32 v3, v4  }
0x2c: {  	v4 =	vperm.xlane v3, v0;
	_ =	sdelay $0x1  }
0x2d: {  	v3 =	vperm.xlane v3, v2;
	v4 =	vadd.s32 v1, v4;
	_ =	sdelay $0x1  }
0x2e: {  	v3 =	vadd.s32 v1, v3;
	_ =	sdelay $0x2  }
0x2f: {  	[tilespmem:s13], [sflag:$0x1] =	stream.indirect_vreg.gather [hbm4b:s3+s2], $0x80, v4, vm0, $0xb8;
	[tilespmem:$0x8100] =	vst v63  }
0x30: {  	_ = 	snop  }
0x31: {  	[tilespmem:s14], [sflag:$0x1] =	stream.indirect_vreg.gather [hbm4b:s3+s2], $0x80, v3, vm0, $0xb8;
	[tilespmem:$0x8100] =	vst v63  }
0x32: {  	v3 =	vld [tilespmem:$0x30];
	_ =	sdelay $0x4  }
0x33: {  	v51 =	vshll.u32 v3, $0x1  }
0x34: {  	v3 =	vand.u32 $0x7, v3;
	v4 =	vand.u32 $0xFFFFFFF0, v51  }
0x35: {  	v3 =	vor.u32 v3, v4  }
0x36: {  	v4 =	vperm.xlane v3, v0;
	_ =	sdelay $0x1  }
0x37: {  	v3 =	vperm.xlane v3, v2;
	v4 =	vadd.s32 v1, v4;
	_ =	sdelay $0x1  }
0x38: {  	v3 =	vadd.s32 v1, v3;
	_ =	sdelay $0x2  }
0x39: {  	[tilespmem:s15], [sflag:$0x1] =	stream.indirect_vreg.gather [hbm4b:s3+s2], $0x80, v4, vm0, $0xb8;
	[tilespmem:$0x8100] =	vst v63  }
0x3a: {  	_ = 	snop  }
0x3b: {  	[tilespmem:s16], [sflag:$0x1] =	stream.indirect_vreg.gather [hbm4b:s3+s2], $0x80, v3, vm0, $0xb8;
	[tilespmem:$0x8100] =	vst v63  }
0x3c: {  	v3 =	vld [tilespmem:$0x40];
	_ =	sdelay $0x4  }
0x3d: {  	v52 =	vshll.u32 v3, $0x1  }
0x3e: {  	v3 =	vand.u32 $0x7, v3;
	v4 =	vand.u32 $0xFFFFFFF0, v52  }
0x3f: {  	v3 =	vor.u32 v3, v4  }
0x40: {  	v4 =	vperm.xlane v3, v0;
	_ =	sdelay $0x1  }
0x41: {  	v3 =	vperm.xlane v3, v2;
	v4 =	vadd.s32 v1, v4;
	_ =	sdelay $0x1  }
0x42: {  	v3 =	vadd.s32 v1, v3;
	_ =	sdelay $0x2  }
0x43: {  	[tilespmem:s17], [sflag:$0x1] =	stream.indirect_vreg.gather [hbm4b:s3+s2], $0x80, v4, vm0, $0xb8;
	[tilespmem:$0x8100] =	vst v63  }
0x44: {  	_ = 	snop  }
0x45: {  	[tilespmem:s18], [sflag:$0x1] =	stream.indirect_vreg.gather [hbm4b:s3+s2], $0x80, v3, vm0, $0xb8;
	[tilespmem:$0x8100] =	vst v63  }
0x46: {  	v3 =	vld [tilespmem:$0x50];
	_ =	sdelay $0x4  }
0x47: {  	v53 =	vshll.u32 v3, $0x1  }
0x48: {  	v3 =	vand.u32 $0x7, v3;
	v4 =	vand.u32 $0xFFFFFFF0, v53  }
0x49: {  	v3 =	vor.u32 v3, v4  }
0x4a: {  	v4 =	vperm.xlane v3, v0;
	_ =	sdelay $0x1  }
0x4b: {  	v3 =	vperm.xlane v3, v2;
	v4 =	vadd.s32 v1, v4;
	_ =	sdelay $0x1  }
0x4c: {  	v3 =	vadd.s32 v1, v3;
	_ =	sdelay $0x2  }
0x4d: {  	[tilespmem:s19], [sflag:$0x1] =	stream.indirect_vreg.gather [hbm4b:s3+s2], $0x80, v4, vm0, $0xb8;
	[tilespmem:$0x8100] =	vst v63  }
0x4e: {  	_ = 	snop  }
0x4f: {  	[tilespmem:s20], [sflag:$0x1] =	stream.indirect_vreg.gather [hbm4b:s3+s2], $0x80, v3, vm0, $0xb8;
	[tilespmem:$0x8100] =	vst v63  }
0x50: {  	v3 =	vld [tilespmem:$0x60];
	_ =	sdelay $0x4  }
0x51: {  	v54 =	vshll.u32 v3, $0x1  }
0x52: {  	v3 =	vand.u32 $0x7, v3;
	v4 =	vand.u32 $0xFFFFFFF0, v54  }
0x53: {  	v3 =	vor.u32 v3, v4  }
0x54: {  	v4 =	vperm.xlane v3, v0;
	_ =	sdelay $0x1  }
0x55: {  	v3 =	vperm.xlane v3, v2;
	v4 =	vadd.s32 v1, v4;
	_ =	sdelay $0x1  }
0x56: {  	v3 =	vadd.s32 v1, v3;
	_ =	sdelay $0x2  }
0x57: {  	[tilespmem:s21], [sflag:$0x1] =	stream.indirect_vreg.gather [hbm4b:s3+s2], $0x80, v4, vm0, $0xb8;
	[tilespmem:$0x8100] =	vst v63  }
0x58: {  	_ = 	snop  }
0x59: {  	[tilespmem:s22], [sflag:$0x1] =	stream.indirect_vreg.gather [hbm4b:s3+s2], $0x80, v3, vm0, $0xb8;
	[tilespmem:$0x8100] =	vst v63  }
0x5a: {  	v3 =	vld [tilespmem:$0x70];
	_ =	sdelay $0x4  }
0x5b: {  	v55 =	vshll.u32 v3, $0x1  }
0x5c: {  	v3 =	vand.u32 $0x7, v3;
	v4 =	vand.u32 $0xFFFFFFF0, v55  }
0x5d: {  	v3 =	vor.u32 v3, v4  }
0x5e: {  	v4 =	vperm.xlane v3, v0;
	_ =	sdelay $0x1  }
0x5f: {  	v3 =	vperm.xlane v3, v2;
	v4 =	vadd.s32 v1, v4;
	_ =	sdelay $0x1  }
0x60: {  	v3 =	vadd.s32 v1, v3;
	_ =	sdelay $0x2  }
0x61: {  	[tilespmem:s23], [sflag:$0x1] =	stream.indirect_vreg.gather [hbm4b:s3+s2], $0x80, v4, vm0, $0xb8;
	[tilespmem:$0x8100] =	vst v63  }
0x62: {  	_ = 	snop  }
0x63: {  	[tilespmem:s24], [sflag:$0x1] =	stream.indirect_vreg.gather [hbm4b:s3+s2], $0x80, v3, vm0, $0xb8;
	[tilespmem:$0x8100] =	vst v63  }
0x64: {  	_ =	swait.ge [sflag:s25], $0x8000  }
0x65: {  	[sflag:s25] =	ssyncset.done $0x0  }
0x66: {  	[sflag:s25] =	ssyncadd.s32 $0xFFFF8000  }
0x67: {  	[hbm4b:s5+s2] =	stream.linear.scatter [tilespmem:s9], [sflag:$0x2], $0x8000, $0x38;
	[tilespmem:$0x8100] =	vst v63  }
0x68: {  	_ =	swait.ge [sflag:s8], $0x8000  }
0x69: {  	[sflag:s8] =	ssyncset.done $0x0  }
0x6a: {  	[sflag:s8] =	ssyncadd.s32 $0xFFFF8000  }
0x6b: {  	v3 =	vld [tilespmem:$0x80];
	_ =	sdelay $0x4  }
0x6c: {  	v56 =	vshll.u32 v3, $0x1  }
0x6d: {  	v3 =	vand.u32 $0x7, v3;
	v4 =	vand.u32 $0xFFFFFFF0, v56  }
0x6e: {  	v3 =	vor.u32 v3, v4  }
0x6f: {  	v4 =	vperm.xlane v3, v0;
	_ =	sdelay $0x1  }
0x70: {  	v3 =	vperm.xlane v3, v2;
	v4 =	vadd.s32 v1, v4;
	_ =	sdelay $0x1  }
0x71: {  	v3 =	vadd.s32 v1, v3;
	_ =	sdelay $0x2  }
0x72: {  	[tilespmem:s9], [sflag:$0x1] =	stream.indirect_vreg.gather [hbm4b:s3+s2], $0x80, v4, vm0, $0xb8;
	[tilespmem:$0x8100] =	vst v63  }
0x73: {  	_ = 	snop  }
0x74: {  	[tilespmem:s10], [sflag:$0x1] =	stream.indirect_vreg.gather [hbm4b:s3+s2], $0x80, v3, vm0, $0xb8;
	[tilespmem:$0x8100] =	vst v63  }
0x75: {  	v3 =	vld [tilespmem:$0x90];
	_ =	sdelay $0x4  }
0x76: {  	v57 =	vshll.u32 v3, $0x1  }
0x77: {  	v3 =	vand.u32 $0x7, v3;
	v4 =	vand.u32 $0xFFFFFFF0, v57  }
0x78: {  	v3 =	vor.u32 v3, v4  }
0x79: {  	v4 =	vperm.xlane v3, v0;
	_ =	sdelay $0x1  }
0x7a: {  	v3 =	vperm.xlane v3, v2;
	v4 =	vadd.s32 v1, v4;
	_ =	sdelay $0x1  }
0x7b: {  	v3 =	vadd.s32 v1, v3;
	_ =	sdelay $0x2  }
0x7c: {  	[tilespmem:s11], [sflag:$0x1] =	stream.indirect_vreg.gather [hbm4b:s3+s2], $0x80, v4, vm0, $0xb8;
	[tilespmem:$0x8100] =	vst v63  }
0x7d: {  	_ = 	snop  }
0x7e: {  	[tilespmem:s12], [sflag:$0x1] =	stream.indirect_vreg.gather [hbm4b:s3+s2], $0x80, v3, vm0, $0xb8;
	[tilespmem:$0x8100] =	vst v63  }
0x7f: {  	v3 =	vld [tilespmem:$0xA0];
	_ =	sdelay $0x4  }
0x80: {  	v58 =	vshll.u32 v3, $0x1  }
0x81: {  	v3 =	vand.u32 $0x7, v3;
	v4 =	vand.u32 $0xFFFFFFF0, v58  }
0x82: {  	v3 =	vor.u32 v3, v4  }
0x83: {  	v4 =	vperm.xlane v3, v0;
	_ =	sdelay $0x1  }
0x84: {  	v3 =	vperm.xlane v3, v2;
	v4 =	vadd.s32 v1, v4;
	_ =	sdelay $0x1  }
0x85: {  	v3 =	vadd.s32 v1, v3;
	_ =	sdelay $0x2  }
0x86: {  	[tilespmem:s13], [sflag:$0x1] =	stream.indirect_vreg.gather [hbm4b:s3+s2], $0x80, v4, vm0, $0xb8;
	[tilespmem:$0x8100] =	vst v63  }
0x87: {  	_ = 	snop  }
0x88: {  	[tilespmem:s14], [sflag:$0x1] =	stream.indirect_vreg.gather [hbm4b:s3+s2], $0x80, v3, vm0, $0xb8;
	[tilespmem:$0x8100] =	vst v63  }
0x89: {  	v3 =	vld [tilespmem:$0xB0];
	_ =	sdelay $0x4  }
0x8a: {  	v59 =	vshll.u32 v3, $0x1  }
0x8b: {  	v3 =	vand.u32 $0x7, v3;
	v4 =	vand.u32 $0xFFFFFFF0, v59  }
0x8c: {  	v3 =	vor.u32 v3, v4  }
0x8d: {  	v4 =	vperm.xlane v3, v0;
	_ =	sdelay $0x1  }
0x8e: {  	v3 =	vperm.xlane v3, v2;
	v4 =	vadd.s32 v1, v4;
	_ =	sdelay $0x1  }
0x8f: {  	v3 =	vadd.s32 v1, v3;
	_ =	sdelay $0x2  }
0x90: {  	[tilespmem:s15], [sflag:$0x1] =	stream.indirect_vreg.gather [hbm4b:s3+s2], $0x80, v4, vm0, $0xb8;
	[tilespmem:$0x8100] =	vst v63  }
0x91: {  	_ = 	snop  }
0x92: {  	[tilespmem:s16], [sflag:$0x1] =	stream.indirect_vreg.gather [hbm4b:s3+s2], $0x80, v3, vm0, $0xb8;
	[tilespmem:$0x8100] =	vst v63  }
0x93: {  	v3 =	vld [tilespmem:$0xC0];
	_ =	sdelay $0x4  }
0x94: {  	v60 =	vshll.u32 v3, $0x1  }
0x95: {  	v3 =	vand.u32 $0x7, v3;
	v4 =	vand.u32 $0xFFFFFFF0, v60  }
0x96: {  	v3 =	vor.u32 v3, v4  }
0x97: {  	v4 =	vperm.xlane v3, v0;
	_ =	sdelay $0x1  }
0x98: {  	v3 =	vperm.xlane v3, v2;
	v4 =	vadd.s32 v1, v4;
	_ =	sdelay $0x1  }
0x99: {  	v3 =	vadd.s32 v1, v3;
	_ =	sdelay $0x2  }
0x9a: {  	[tilespmem:s17], [sflag:$0x1] =	stream.indirect_vreg.gather [hbm4b:s3+s2], $0x80, v4, vm0, $0xb8;
	[tilespmem:$0x8100] =	vst v63  }
0x9b: {  	_ = 	snop  }
0x9c: {  	[tilespmem:s18], [sflag:$0x1] =	stream.indirect_vreg.gather [hbm4b:s3+s2], $0x80, v3, vm0, $0xb8;
	[tilespmem:$0x8100] =	vst v63  }
0x9d: {  	v3 =	vld [tilespmem:$0xD0];
	_ =	sdelay $0x4  }
0x9e: {  	v61 =	vshll.u32 v3, $0x1  }
0x9f: {  	v3 =	vand.u32 $0x7, v3;
	v4 =	vand.u32 $0xFFFFFFF0, v61  }
0xa0: {  	v3 =	vor.u32 v3, v4  }
0xa1: {  	v4 =	vperm.xlane v3, v0;
	_ =	sdelay $0x1  }
0xa2: {  	v3 =	vperm.xlane v3, v2;
	v4 =	vadd.s32 v1, v4;
	_ =	sdelay $0x1  }
0xa3: {  	v3 =	vadd.s32 v1, v3;
	_ =	sdelay $0x2  }
0xa4: {  	[tilespmem:s19], [sflag:$0x1] =	stream.indirect_vreg.gather [hbm4b:s3+s2], $0x80, v4, vm0, $0xb8;
	[tilespmem:$0x8100] =	vst v63  }
0xa5: {  	_ = 	snop  }
0xa6: {  	[tilespmem:s20], [sflag:$0x1] =	stream.indirect_vreg.gather [hbm4b:s3+s2], $0x80, v3, vm0, $0xb8;
	[tilespmem:$0x8100] =	vst v63  }
0xa7: {  	v3 =	vld [tilespmem:$0xE0];
	_ =	sdelay $0x4  }
0xa8: {  	v62 =	vshll.u32 v3, $0x1  }
0xa9: {  	v3 =	vand.u32 $0x7, v3;
	v4 =	vand.u32 $0xFFFFFFF0, v62  }
0xaa: {  	v3 =	vor.u32 v3, v4  }
0xab: {  	v4 =	vperm.xlane v3, v0;
	_ =	sdelay $0x1  }
0xac: {  	v3 =	vperm.xlane v3, v2;
	v4 =	vadd.s32 v1, v4;
	_ =	sdelay $0x1  }
0xad: {  	v3 =	vadd.s32 v1, v3;
	_ =	sdelay $0x2  }
0xae: {  	[tilespmem:s21], [sflag:$0x1] =	stream.indirect_vreg.gather [hbm4b:s3+s2], $0x80, v4, vm0, $0xb8;
	[tilespmem:$0x8100] =	vst v63  }
0xaf: {  	_ = 	snop  }
0xb0: {  	[tilespmem:s22], [sflag:$0x1] =	stream.indirect_vreg.gather [hbm4b:s3+s2], $0x80, v3, vm0, $0xb8;
	[tilespmem:$0x8100] =	vst v63  }
0xb1: {  	v3 =	vld [tilespmem:$0xF0];
	_ =	sdelay $0x4  }
0xb2: {  	v63 =	vshll.u32 v3, $0x1  }
0xb3: {  	v3 =	vand.u32 $0x7, v3;
	v4 =	vand.u32 $0xFFFFFFF0, v63  }
0xb4: {  	v3 =	vor.u32 v3, v4  }
0xb5: {  	v4 =	vperm.xlane v3, v0;
	_ =	sdelay $0x1  }
0xb6: {  	v3 =	vperm.xlane v3, v2;
	v4 =	vadd.s32 v1, v4;
	_ =	sdelay $0x1  }
0xb7: {  	v3 =	vadd.s32 v1, v3;
	_ =	sdelay $0x2  }
0xb8: {  	[tilespmem:s23], [sflag:$0x1] =	stream.indirect_vreg.gather [hbm4b:s3+s2], $0x80, v4, vm0, $0xb8;
	[tilespmem:$0x8100] =	vst v63  }
0xb9: {  	_ = 	snop  }
0xba: {  	[tilespmem:s24], [sflag:$0x1] =	stream.indirect_vreg.gather [hbm4b:s3+s2], $0x80, v3, vm0, $0xb8;
	[tilespmem:$0x8100] =	vst v63  }
0xbb: {  	_ =	swait.ge [sflag:s25], $0x8000  }
0xbc: {  	p0 =	sne.s32 s7, $0x1;
	[sflag:s25] =	ssyncset.done $0x0  }
.Ltmp0:
0xbd: {  	[sflag:s25] =	ssyncadd.s32 $0xFFFF8000;
	(pc) =	sbr.rel @p0 .LBB2_1-.Ltmp0, $4  }
0xbe: {  	[hbm4b:s6+s2] =	stream.linear.scatter [tilespmem:s9], [sflag:$0x2], $0x8000, $0x38;
	[tilespmem:$0x8100] =	vst v63  }
0xbf: {  	_ =	swait.ge [sflag:s8], $0x8000  }
0xc0: {  	[sflag:s8] =	ssyncset.done $0x0  }
0xc1: {  	s7 =	sadd.s32 $0xFFFFFFFF, s7;
	[sflag:s8] =	ssyncadd.s32 $0xFFFF8000  }
0xc2: {  	_ =	sfence.sel $0x180000  }
0xc3: {  	[bflag:$0x0] =	sbarrier.arrive $0xFFFF  }
0xc4: {  	p0 =	sne.s32 s1, $0x0;
	_ =	strace $0x90000047  }
0xc5: {  	s0 =	sadd.s32 @!p0 $0x100000, s0;
	[bflag:$0x2] =	sbarrier.arrive $0xFFFF  }
0xc6: {  	[sflag:s0] =	ssyncadd.tile.s32 @!p0 $0x1;
	_ =	shalt  }
.Lfunc_end2:
_tile_overlayer_lowered:
.L_overlay_start_2:
0xc7: {  	(tag) =	ssettag $0x2  }
0xc8: {  	s0 =	rddreg [dreg:$0x0];
	s2 =	stileid.u32  }
0xc9: {  	s1 =	rddreg [dreg:$0x1];
	p0 =	sne.s32 s2, $0x0  }
0xca: {  	s3 =	rddreg [dreg:$0x2];
	[bflag:$0x3] =	sbarrier.arrive $0xFFFF;
	s2 =	simm.s32 @!p0 $0x1C02  }
0xcb: {  	[timem:s3], [sflag:s2] =	dma.local @!p0 [hbm:s0], s1  }
0xcc: {  	s0 =	simm.s32 @!p0 $0x2  }
0xcd: {  	_ =	swait.ge @!p0 [sflag:s0], s1  }
0xce: {  	s1 =	ssub.s32 @!p0 $0x0, s1;
	[sflag:s0] =	ssyncset.done @!p0 $0x0  }
0xcf: {  	[sflag:s0] =	ssyncadd.s32 @!p0 s1  }
0xd0: {  	[bflag:$0x3] =	sbarrier.arrive $0xFFFF  }
0xd1: {  	_ =	shalt  }

</sc_bundles>
